<compile_context>
chip_gen: v7x
topology: tpu7x:2x2x1
jax: 0.10.2.dev20260603
libtpu: 0.0.44.dev20260713+nightly
codegen_flags: <defaults>
</compile_context>

<pallas_src>
import functools

import jax
import jax.numpy as jnp
from jax import lax
from jax.experimental import pallas as pl
from jax.experimental.pallas import tpu as pltpu
from jax.experimental.pallas import tpu_sc as plsc

N = 262144
C = 256
CH = 128

_info = plsc.get_sparse_core_info()
_NC, _NS, _L = _info.num_cores, _info.num_subcores, _info.num_lanes
NW = _NC * _NS
ROWS_W = N // NW
CHUNKS = ROWS_W // CH


@functools.partial(
    pl.kernel,
    mesh=plsc.VectorSubcoreMesh(core_axis_name="c", subcore_axis_name="s"),
    out_type=jax.ShapeDtypeStruct((N, C), jnp.float32),
    compiler_params=pltpu.CompilerParams(needs_layout_passes=False),
    scratch_types=[
        pltpu.VMEM((ROWS_W,), jnp.int32),
        pltpu.VMEM((_L,), jnp.float32),
        pltpu.VMEM((CH, C), jnp.float32),
        pltpu.VMEM((CH, C), jnp.float32),
        pltpu.SemaphoreType.DMA,
        pltpu.SemaphoreType.DMA,
    ],
)
def _onehot_sc(labels_hbm, scale_hbm, out_hbm, lab_v, sc_v, buf0, buf1,
               sem0, sem1):
    wid = lax.axis_index("s") * _NC + lax.axis_index("c")
    base = wid * ROWS_W
    pltpu.sync_copy(labels_hbm.at[pl.ds(base, ROWS_W)], lab_v)
    pltpu.sync_copy(scale_hbm, sc_v)
    sv = sc_v[...]
    zv = sv * 0.0
    iota = lax.iota(jnp.int32, _L)

    bufs = (buf0, buf1)
    sems = (sem0, sem1)
    nbuf = len(bufs)

    def zero_body(r, carry):
        for j in range(C // _L):
            for buf in bufs:
                buf[r, pl.ds(j * _L, _L)] = zv
        return carry

    lax.fori_loop(0, CH, zero_body, 0)

    def scatter_chunk(buf, chunk, vals):
        off = chunk * CH
        for j in range(CH // _L):
            labs = lab_v[pl.ds(off + j * _L, _L)]
            rows = iota + (j * _L)
            plsc.store_scatter(buf, [rows, labs], vals)

    def dst_ref(chunk):
        return out_hbm.at[pl.ds(base + chunk * CH, CH)]

    def advance(b, c):
        pltpu.make_async_copy(bufs[b], dst_ref(c - nbuf), sems[b]).wait()
        scatter_chunk(bufs[b], c - nbuf, zv)
        scatter_chunk(bufs[b], c, sv)
        pltpu.make_async_copy(bufs[b], dst_ref(c), sems[b]).start()

    for b in range(nbuf):
        scatter_chunk(bufs[b], b, sv)
        pltpu.make_async_copy(bufs[b], dst_ref(b), sems[b]).start()

    main_groups = (CHUNKS - nbuf) // nbuf

    def chunk_body(i, carry):
        c0 = nbuf + nbuf * i
        for b in range(nbuf):
            advance(b, c0 + b)
        return carry

    lax.fori_loop(0, main_groups, chunk_body, 0)

    done = nbuf + main_groups * nbuf
    for c in range(done, CHUNKS):
        advance(c % nbuf, c)
    for b in range(nbuf):
        pltpu.make_async_copy(bufs[b], dst_ref(0), sems[b]).wait()


def kernel(labels, scale):
    scale_vec = jnp.broadcast_to(scale.astype(jnp.float32), (_L,))
    return _onehot_sc(labels, scale_vec)

# --- scband reference (transcript-rebuilt; emitter-appended) ---
"""Pipeline reference for scband-dummy-model-57234734186899 (READ-ONLY COPY).

The authoritative reference and input builder live on the scoring server;
editing this copy changes nothing except your own understanding.
"""

import jax, jax.numpy as jnp
import numpy as np

N = 262144
NUM_CLASSES = 256


def setup_inputs(seed: int = 0) -> dict:
    key = jax.random.key(seed)
    k1, k2 = jax.random.split(key)
    # labels in [0, NUM_CLASSES); int32 used for portability (jax x64 disabled by default)
    labels = jax.random.randint(k1, (N,), 0, NUM_CLASSES, dtype=jnp.int32)
    # learnable parameter: self.scale = Parameter(torch.tensor(1.0))
    scale = jnp.asarray(1.0, dtype=jnp.float32)
    return {"labels": labels, "scale": scale}


def reference(labels, scale):
    # Faithful translation of DummyModel.forward:
    #   logits = zeros(N, num_classes); logits[arange(N), labels] = 1.0; return logits * scale
    # num_classes is max(labels)+1 in the original; inputs are constructed so that
    # the label range is exactly [0, NUM_CLASSES), making NUM_CLASSES static.
    n = labels.shape[0]
    logits = jnp.zeros((n, NUM_CLASSES), dtype=jnp.float32)
    rows = jnp.arange(n, dtype=jnp.int32)
    logits = logits.at[rows, labels].set(1.0)  # scatter-overwrite
    return logits * scale

if __name__ == "__main__":
    import jax
    _d = setup_inputs()
    print(jax.jit(kernel)(*tuple(_d.values())))

</pallas_src>

<mosaic_0001>
#map = affine_map<(d0, d1) -> (0)>
#map1 = affine_map<(d0, d1) -> (0, 0)>
module attributes {stable_mosaic.version = 14 : i64} {
  func.func @_onehot_sc(%arg0: i32, %arg1: i32, %arg2: memref<262144xi32, #tpu.memory_space<hbm>>, %arg3: memref<16xf32, #tpu.memory_space<hbm>>, %arg4: memref<262144x256xf32, #tpu.memory_space<hbm>>, %arg5: memref<8192xi32, #tpu.memory_space<vmem>>, %arg6: memref<16xf32, #tpu.memory_space<vmem>>, %arg7: memref<128x256xf32, #tpu.memory_space<vmem>>, %arg8: memref<128x256xf32, #tpu.memory_space<vmem>>, %arg9: memref<!tpu.dma_semaphore, #tpu.memory_space<semaphore_mem>>, %arg10: memref<!tpu.dma_semaphore, #tpu.memory_space<semaphore_mem>>) attributes {dimension_semantics = [#tpu.dimension_semantics<core_parallel>, #tpu.dimension_semantics<subcore_parallel>], iteration_bounds = array<i64: 2, 16>, scalar_prefetch = 0 : i64, scratch_operands = 6 : i64, tpu.core_type = #tpu.core_type<sc_vector_subcore>, window_params = [{transform_indices = #map}, {transform_indices = #map}, {transform_indices = #map1}]} {
    %mul3A = arith.constant 2 : i32
    %mul3A_0 = arith.muli %arg1, %mul3A : i32
    %add3A = arith.addi %mul3A_0, %arg0 : i32
    %mul3A_1 = arith.constant 8192 : i32
    %mul3A_2 = arith.muli %add3A, %mul3A_1 : i32
    "tpu.region"() ({
      %run_scoped3A = tpu.sem_alloc : memref<!tpu.dma_semaphore, #tpu.memory_space<semaphore_mem>>
      %dma_start3A_120 = tpu.memref_slice %arg2[%mul3A_2] : memref<262144xi32, #tpu.memory_space<hbm>> -> memref<8192xi32, #tpu.memory_space<hbm>>
      %dma_start3A_121 = tpu.memref_slice %arg2[%mul3A_2] : memref<262144xi32, #tpu.memory_space<hbm>> -> memref<8192xi32, #tpu.memory_space<hbm>>
      tpu.enqueue_dma source(%dma_start3A_121 : memref<8192xi32, #tpu.memory_space<hbm>>) target(%arg5 : memref<8192xi32, #tpu.memory_space<vmem>>) target_semaphore(%run_scoped3A : memref<!tpu.dma_semaphore, #tpu.memory_space<semaphore_mem>>)
      %dma_wait3A_122 = tpu.memref_slice %arg2[%mul3A_2] : memref<262144xi32, #tpu.memory_space<hbm>> -> memref<8192xi32, #tpu.memory_space<hbm>>
      %dma_wait3A_123 = tpu.memref_slice %arg2[%mul3A_2] : memref<262144xi32, #tpu.memory_space<hbm>> -> memref<8192xi32, #tpu.memory_space<hbm>>
      tpu.wait_dma2 semaphore(%run_scoped3A : memref<!tpu.dma_semaphore, #tpu.memory_space<semaphore_mem>>) src(%dma_wait3A_123 : memref<8192xi32, #tpu.memory_space<hbm>>) dst(%arg5 : memref<8192xi32, #tpu.memory_space<vmem>>)
      tpu.yield
    }) : () -> ()
    "tpu.region"() ({
      %run_scoped3A = tpu.sem_alloc : memref<!tpu.dma_semaphore, #tpu.memory_space<semaphore_mem>>
      tpu.enqueue_dma source(%arg3 : memref<16xf32, #tpu.memory_space<hbm>>) target(%arg6 : memref<16xf32, #tpu.memory_space<vmem>>) target_semaphore(%run_scoped3A : memref<!tpu.dma_semaphore, #tpu.memory_space<semaphore_mem>>)
      tpu.wait_dma2 semaphore(%run_scoped3A : memref<!tpu.dma_semaphore, #tpu.memory_space<semaphore_mem>>) src(%arg3 : memref<16xf32, #tpu.memory_space<hbm>>) dst(%arg6 : memref<16xf32, #tpu.memory_space<vmem>>)
      tpu.yield
    }) : () -> ()
    %get3A = arith.constant 0 : index
    %get3A_3 = tpu.vector_load %arg6[%get3A] {strides = array<i32>} : memref<16xf32, #tpu.memory_space<vmem>>, vector<16xf32>,
    %mul3A_4 = arith.constant 0.000000e+00 : f32
    %mul3A_5 = vector.broadcast %mul3A_4 : f32 to vector<16xf32>
    %mul3A_6 = arith.mulf %get3A_3, %mul3A_5 : vector<16xf32>
    %iota3A = tpu.iota {dimensions = array<i32: 0>} : vector<16xi32>
    %scan3A = arith.constant 0 : i32
    %scan3A_7 = arith.constant 0 : i32
    %scan3A_8 = arith.constant 128 : i32
    %scan3A_9 = arith.addi %scan3A_7, %scan3A_8 : i32
    %scan3A_10 = arith.constant 1 : i32
    scf.for %scan3A_120 = %scan3A_7 to %scan3A_9 step %scan3A_10  : i32 {
      %swap3A = arith.index_cast %scan3A_120 : i32 to index
      %swap3A_121 = arith.constant 0 : index
      %swap3A_122 = tpu.vector_load %arg7[%swap3A, %swap3A_121] {strides = array<i32>} : memref<128x256xf32, #tpu.memory_space<vmem>>, vector<16xf32>,
      tpu.vector_store %arg7[%swap3A, %swap3A_121], %mul3A_6 {strides = array<i32>} : memref<128x256xf32, #tpu.memory_space<vmem>>, vector<16xf32>,
      %swap3A_123 = arith.index_cast %scan3A_120 : i32 to index
      %swap3A_124 = arith.constant 0 : index
      %swap3A_125 = tpu.vector_load %arg8[%swap3A_123, %swap3A_124] {strides = array<i32>} : memref<128x256xf32, #tpu.memory_space<vmem>>, vector<16xf32>,
      tpu.vector_store %arg8[%swap3A_123, %swap3A_124], %mul3A_6 {strides = array<i32>} : memref<128x256xf32, #tpu.memory_space<vmem>>, vector<16xf32>,
      %swap3A_126 = arith.index_cast %scan3A_120 : i32 to index
      %swap3A_127 = arith.constant 16 : index
      %swap3A_128 = tpu.vector_load %arg7[%swap3A_126, %swap3A_127] {strides = array<i32>} : memref<128x256xf32, #tpu.memory_space<vmem>>, vector<16xf32>,
      tpu.vector_store %arg7[%swap3A_126, %swap3A_127], %mul3A_6 {strides = array<i32>} : memref<128x256xf32, #tpu.memory_space<vmem>>, vector<16xf32>,
      %swap3A_129 = arith.index_cast %scan3A_120 : i32 to index
      %swap3A_130 = arith.constant 16 : index
      %swap3A_131 = tpu.vector_load %arg8[%swap3A_129, %swap3A_130] {strides = array<i32>} : memref<128x256xf32, #tpu.memory_space<vmem>>, vector<16xf32>,
      tpu.vector_store %arg8[%swap3A_129, %swap3A_130], %mul3A_6 {strides = array<i32>} : memref<128x256xf32, #tpu.memory_space<vmem>>, vector<16xf32>,
      %swap3A_132 = arith.index_cast %scan3A_120 : i32 to index
      %swap3A_133 = arith.constant 32 : index
      %swap3A_134 = tpu.vector_load %arg7[%swap3A_132, %swap3A_133] {strides = array<i32>} : memref<128x256xf32, #tpu.memory_space<vmem>>, vector<16xf32>,
      tpu.vector_store %arg7[%swap3A_132, %swap3A_133], %mul3A_6 {strides = array<i32>} : memref<128x256xf32, #tpu.memory_space<vmem>>, vector<16xf32>,
      %swap3A_135 = arith.index_cast %scan3A_120 : i32 to index
      %swap3A_136 = arith.constant 32 : index
      %swap3A_137 = tpu.vector_load %arg8[%swap3A_135, %swap3A_136] {strides = array<i32>} : memref<128x256xf32, #tpu.memory_space<vmem>>, vector<16xf32>,
      tpu.vector_store %arg8[%swap3A_135, %swap3A_136], %mul3A_6 {strides = array<i32>} : memref<128x256xf32, #tpu.memory_space<vmem>>, vector<16xf32>,
      %swap3A_138 = arith.index_cast %scan3A_120 : i32 to index
      %swap3A_139 = arith.constant 48 : index
      %swap3A_140 = tpu.vector_load %arg7[%swap3A_138, %swap3A_139] {strides = array<i32>} : memref<128x256xf32, #tpu.memory_space<vmem>>, vector<16xf32>,
      tpu.vector_store %arg7[%swap3A_138, %swap3A_139], %mul3A_6 {strides = array<i32>} : memref<128x256xf32, #tpu.memory_space<vmem>>, vector<16xf32>,
      %swap3A_141 = arith.index_cast %scan3A_120 : i32 to index
      %swap3A_142 = arith.constant 48 : index
      %swap3A_143 = tpu.vector_load %arg8[%swap3A_141, %swap3A_142] {strides = array<i32>} : memref<128x256xf32, #tpu.memory_space<vmem>>, vector<16xf32>,
      tpu.vector_store %arg8[%swap3A_141, %swap3A_142], %mul3A_6 {strides = array<i32>} : memref<128x256xf32, #tpu.memory_space<vmem>>, vector<16xf32>,
      %swap3A_144 = arith.index_cast %scan3A_120 : i32 to index
      %swap3A_145 = arith.constant 64 : index
      %swap3A_146 = tpu.vector_load %arg7[%swap3A_144, %swap3A_145] {strides = array<i32>} : memref<128x256xf32, #tpu.memory_space<vmem>>, vector<16xf32>,
      tpu.vector_store %arg7[%swap3A_144, %swap3A_145], %mul3A_6 {strides = array<i32>} : memref<128x256xf32, #tpu.memory_space<vmem>>, vector<16xf32>,
      %swap3A_147 = arith.index_cast %scan3A_120 : i32 to index
      %swap3A_148 = arith.constant 64 : index
      %swap3A_149 = tpu.vector_load %arg8[%swap3A_147, %swap3A_148] {strides = array<i32>} : memref<128x256xf32, #tpu.memory_space<vmem>>, vector<16xf32>,
      tpu.vector_store %arg8[%swap3A_147, %swap3A_148], %mul3A_6 {strides = array<i32>} : memref<128x256xf32, #tpu.memory_space<vmem>>, vector<16xf32>,
      %swap3A_150 = arith.index_cast %scan3A_120 : i32 to index
      %swap3A_151 = arith.constant 80 : index
      %swap3A_152 = tpu.vector_load %arg7[%swap3A_150, %swap3A_151] {strides = array<i32>} : memref<128x256xf32, #tpu.memory_space<vmem>>, vector<16xf32>,
      tpu.vector_store %arg7[%swap3A_150, %swap3A_151], %mul3A_6 {strides = array<i32>} : memref<128x256xf32, #tpu.memory_space<vmem>>, vector<16xf32>,
      %swap3A_153 = arith.index_cast %scan3A_120 : i32 to index
      %swap3A_154 = arith.constant 80 : index
      %swap3A_155 = tpu.vector_load %arg8[%swap3A_153, %swap3A_154] {strides = array<i32>} : memref<128x256xf32, #tpu.memory_space<vmem>>, vector<16xf32>,
      tpu.vector_store %arg8[%swap3A_153, %swap3A_154], %mul3A_6 {strides = array<i32>} : memref<128x256xf32, #tpu.memory_space<vmem>>, vector<16xf32>,
      %swap3A_156 = arith.index_cast %scan3A_120 : i32 to index
      %swap3A_157 = arith.constant 96 : index
      %swap3A_158 = tpu.vector_load %arg7[%swap3A_156, %swap3A_157] {strides = array<i32>} : memref<128x256xf32, #tpu.memory_space<vmem>>, vector<16xf32>,
      tpu.vector_store %arg7[%swap3A_156, %swap3A_157], %mul3A_6 {strides = array<i32>} : memref<128x256xf32, #tpu.memory_space<vmem>>, vector<16xf32>,
      %swap3A_159 = arith.index_cast %scan3A_120 : i32 to index
      %swap3A_160 = arith.constant 96 : index
      %swap3A_161 = tpu.vector_load %arg8[%swap3A_159, %swap3A_160] {strides = array<i32>} : memref<128x256xf32, #tpu.memory_space<vmem>>, vector<16xf32>,
      tpu.vector_store %arg8[%swap3A_159, %swap3A_160], %mul3A_6 {strides = array<i32>} : memref<128x256xf32, #tpu.memory_space<vmem>>, vector<16xf32>,
      %swap3A_162 = arith.index_cast %scan3A_120 : i32 to index
      %swap3A_163 = arith.constant 112 : index
      %swap3A_164 = tpu.vector_load %arg7[%swap3A_162, %swap3A_163] {strides = array<i32>} : memref<128x256xf32, #tpu.memory_space<vmem>>, vector<16xf32>,
      tpu.vector_store %arg7[%swap3A_162, %swap3A_163], %mul3A_6 {strides = array<i32>} : memref<128x256xf32, #tpu.memory_space<vmem>>, vector<16xf32>,
      %swap3A_165 = arith.index_cast %scan3A_120 : i32 to index
      %swap3A_166 = arith.constant 112 : index
      %swap3A_167 = tpu.vector_load %arg8[%swap3A_165, %swap3A_166] {strides = array<i32>} : memref<128x256xf32, #tpu.memory_space<vmem>>, vector<16xf32>,
      tpu.vector_store %arg8[%swap3A_165, %swap3A_166], %mul3A_6 {strides = array<i32>} : memref<128x256xf32, #tpu.memory_space<vmem>>, vector<16xf32>,
      %swap3A_168 = arith.index_cast %scan3A_120 : i32 to index
      %swap3A_169 = arith.constant 128 : index
      %swap3A_170 = tpu.vector_load %arg7[%swap3A_168, %swap3A_169] {strides = array<i32>} : memref<128x256xf32, #tpu.memory_space<vmem>>, vector<16xf32>,
      tpu.vector_store %arg7[%swap3A_168, %swap3A_169], %mul3A_6 {strides = array<i32>} : memref<128x256xf32, #tpu.memory_space<vmem>>, vector<16xf32>,
      %swap3A_171 = arith.index_cast %scan3A_120 : i32 to index
      %swap3A_172 = arith.constant 128 : index
      %swap3A_173 = tpu.vector_load %arg8[%swap3A_171, %swap3A_172] {strides = array<i32>} : memref<128x256xf32, #tpu.memory_space<vmem>>, vector<16xf32>,
      tpu.vector_store %arg8[%swap3A_171, %swap3A_172], %mul3A_6 {strides = array<i32>} : memref<128x256xf32, #tpu.memory_space<vmem>>, vector<16xf32>,
      %swap3A_174 = arith.index_cast %scan3A_120 : i32 to index
      %swap3A_175 = arith.constant 144 : index
      %swap3A_176 = tpu.vector_load %arg7[%swap3A_174, %swap3A_175] {strides = array<i32>} : memref<128x256xf32, #tpu.memory_space<vmem>>, vector<16xf32>,
      tpu.vector_store %arg7[%swap3A_174, %swap3A_175], %mul3A_6 {strides = array<i32>} : memref<128x256xf32, #tpu.memory_space<vmem>>, vector<16xf32>,
      %swap3A_177 = arith.index_cast %scan3A_120 : i32 to index
      %swap3A_178 = arith.constant 144 : index
      %swap3A_179 = tpu.vector_load %arg8[%swap3A_177, %swap3A_178] {strides = array<i32>} : memref<128x256xf32, #tpu.memory_space<vmem>>, vector<16xf32>,
      tpu.vector_store %arg8[%swap3A_177, %swap3A_178], %mul3A_6 {strides = array<i32>} : memref<128x256xf32, #tpu.memory_space<vmem>>, vector<16xf32>,
      %swap3A_180 = arith.index_cast %scan3A_120 : i32 to index
      %swap3A_181 = arith.constant 160 : index
      %swap3A_182 = tpu.vector_load %arg7[%swap3A_180, %swap3A_181] {strides = array<i32>} : memref<128x256xf32, #tpu.memory_space<vmem>>, vector<16xf32>,
      tpu.vector_store %arg7[%swap3A_180, %swap3A_181], %mul3A_6 {strides = array<i32>} : memref<128x256xf32, #tpu.memory_space<vmem>>, vector<16xf32>,
      %swap3A_183 = arith.index_cast %scan3A_120 : i32 to index
      %swap3A_184 = arith.constant 160 : index
      %swap3A_185 = tpu.vector_load %arg8[%swap3A_183, %swap3A_184] {strides = array<i32>} : memref<128x256xf32, #tpu.memory_space<vmem>>, vector<16xf32>,
      tpu.vector_store %arg8[%swap3A_183, %swap3A_184], %mul3A_6 {strides = array<i32>} : memref<128x256xf32, #tpu.memory_space<vmem>>, vector<16xf32>,
      %swap3A_186 = arith.index_cast %scan3A_120 : i32 to index
      %swap3A_187 = arith.constant 176 : index
      %swap3A_188 = tpu.vector_load %arg7[%swap3A_186, %swap3A_187] {strides = array<i32>} : memref<128x256xf32, #tpu.memory_space<vmem>>, vector<16xf32>,
      tpu.vector_store %arg7[%swap3A_186, %swap3A_187], %mul3A_6 {strides = array<i32>} : memref<128x256xf32, #tpu.memory_space<vmem>>, vector<16xf32>,
      %swap3A_189 = arith.index_cast %scan3A_120 : i32 to index
      %swap3A_190 = arith.constant 176 : index
      %swap3A_191 = tpu.vector_load %arg8[%swap3A_189, %swap3A_190] {strides = array<i32>} : memref<128x256xf32, #tpu.memory_space<vmem>>, vector<16xf32>,
      tpu.vector_store %arg8[%swap3A_189, %swap3A_190], %mul3A_6 {strides = array<i32>} : memref<128x256xf32, #tpu.memory_space<vmem>>, vector<16xf32>,
      %swap3A_192 = arith.index_cast %scan3A_120 : i32 to index
      %swap3A_193 = arith.constant 192 : index
      %swap3A_194 = tpu.vector_load %arg7[%swap3A_192, %swap3A_193] {strides = array<i32>} : memref<128x256xf32, #tpu.memory_space<vmem>>, vector<16xf32>,
      tpu.vector_store %arg7[%swap3A_192, %swap3A_193], %mul3A_6 {strides = array<i32>} : memref<128x256xf32, #tpu.memory_space<vmem>>, vector<16xf32>,
      %swap3A_195 = arith.index_cast %scan3A_120 : i32 to index
      %swap3A_196 = arith.constant 192 : index
      %swap3A_197 = tpu.vector_load %arg8[%swap3A_195, %swap3A_196] {strides = array<i32>} : memref<128x256xf32, #tpu.memory_space<vmem>>, vector<16xf32>,
      tpu.vector_store %arg8[%swap3A_195, %swap3A_196], %mul3A_6 {strides = array<i32>} : memref<128x256xf32, #tpu.memory_space<vmem>>, vector<16xf32>,
      %swap3A_198 = arith.index_cast %scan3A_120 : i32 to index
      %swap3A_199 = arith.constant 208 : index
      %swap3A_200 = tpu.vector_load %arg7[%swap3A_198, %swap3A_199] {strides = array<i32>} : memref<128x256xf32, #tpu.memory_space<vmem>>, vector<16xf32>,
      tpu.vector_store %arg7[%swap3A_198, %swap3A_199], %mul3A_6 {strides = array<i32>} : memref<128x256xf32, #tpu.memory_space<vmem>>, vector<16xf32>,
      %swap3A_201 = arith.index_cast %scan3A_120 : i32 to index
      %swap3A_202 = arith.constant 208 : index
      %swap3A_203 = tpu.vector_load %arg8[%swap3A_201, %swap3A_202] {strides = array<i32>} : memref<128x256xf32, #tpu.memory_space<vmem>>, vector<16xf32>,
      tpu.vector_store %arg8[%swap3A_201, %swap3A_202], %mul3A_6 {strides = array<i32>} : memref<128x256xf32, #tpu.memory_space<vmem>>, vector<16xf32>,
      %swap3A_204 = arith.index_cast %scan3A_120 : i32 to index
      %swap3A_205 = arith.constant 224 : index
      %swap3A_206 = tpu.vector_load %arg7[%swap3A_204, %swap3A_205] {strides = array<i32>} : memref<128x256xf32, #tpu.memory_space<vmem>>, vector<16xf32>,
      tpu.vector_store %arg7[%swap3A_204, %swap3A_205], %mul3A_6 {strides = array<i32>} : memref<128x256xf32, #tpu.memory_space<vmem>>, vector<16xf32>,
      %swap3A_207 = arith.index_cast %scan3A_120 : i32 to index
      %swap3A_208 = arith.constant 224 : index
      %swap3A_209 = tpu.vector_load %arg8[%swap3A_207, %swap3A_208] {strides = array<i32>} : memref<128x256xf32, #tpu.memory_space<vmem>>, vector<16xf32>,
      tpu.vector_store %arg8[%swap3A_207, %swap3A_208], %mul3A_6 {strides = array<i32>} : memref<128x256xf32, #tpu.memory_space<vmem>>, vector<16xf32>,
      %swap3A_210 = arith.index_cast %scan3A_120 : i32 to index
      %swap3A_211 = arith.constant 240 : index
      %swap3A_212 = tpu.vector_load %arg7[%swap3A_210, %swap3A_211] {strides = array<i32>} : memref<128x256xf32, #tpu.memory_space<vmem>>, vector<16xf32>,
      tpu.vector_store %arg7[%swap3A_210, %swap3A_211], %mul3A_6 {strides = array<i32>} : memref<128x256xf32, #tpu.memory_space<vmem>>, vector<16xf32>,
      %swap3A_213 = arith.index_cast %scan3A_120 : i32 to index
      %swap3A_214 = arith.constant 240 : index
      %swap3A_215 = tpu.vector_load %arg8[%swap3A_213, %swap3A_214] {strides = array<i32>} : memref<128x256xf32, #tpu.memory_space<vmem>>, vector<16xf32>,
      tpu.vector_store %arg8[%swap3A_213, %swap3A_214], %mul3A_6 {strides = array<i32>} : memref<128x256xf32, #tpu.memory_space<vmem>>, vector<16xf32>,
    }
    %scan3A_11 = arith.constant 128 : i32
    %get3A_12 = arith.constant 0 : index
    %get3A_13 = tpu.vector_load %arg5[%get3A_12] {strides = array<i32>} : memref<8192xi32, #tpu.memory_space<vmem>>, vector<16xi32>,
    %add3A_14 = arith.constant 0 : i32
    %add3A_15 = vector.broadcast %add3A_14 : i32 to vector<16xi32>
    %add3A_16 = arith.addi %iota3A, %add3A_15 : vector<16xi32>
    tpu.vector_store_idx %arg7[%add3A_16, %get3A_13], %get3A_3 : memref<128x256xf32, #tpu.memory_space<vmem>>[vector<16xi32>, vector<16xi32>], vector<16xf32>,
    %get3A_17 = arith.constant 16 : index
    %get3A_18 = tpu.vector_load %arg5[%get3A_17] {strides = array<i32>} : memref<8192xi32, #tpu.memory_space<vmem>>, vector<16xi32>,
    %add3A_19 = arith.constant 16 : i32
    %add3A_20 = vector.broadcast %add3A_19 : i32 to vector<16xi32>
    %add3A_21 = arith.addi %iota3A, %add3A_20 : vector<16xi32>
    tpu.vector_store_idx %arg7[%add3A_21, %get3A_18], %get3A_3 : memref<128x256xf32, #tpu.memory_space<vmem>>[vector<16xi32>, vector<16xi32>], vector<16xf32>,
    %get3A_22 = arith.constant 32 : index
    %get3A_23 = tpu.vector_load %arg5[%get3A_22] {strides = array<i32>} : memref<8192xi32, #tpu.memory_space<vmem>>, vector<16xi32>,
    %add3A_24 = arith.constant 32 : i32
    %add3A_25 = vector.broadcast %add3A_24 : i32 to vector<16xi32>
    %add3A_26 = arith.addi %iota3A, %add3A_25 : vector<16xi32>
    tpu.vector_store_idx %arg7[%add3A_26, %get3A_23], %get3A_3 : memref<128x256xf32, #tpu.memory_space<vmem>>[vector<16xi32>, vector<16xi32>], vector<16xf32>,
    %get3A_27 = arith.constant 48 : index
    %get3A_28 = tpu.vector_load %arg5[%get3A_27] {strides = array<i32>} : memref<8192xi32, #tpu.memory_space<vmem>>, vector<16xi32>,
    %add3A_29 = arith.constant 48 : i32
    %add3A_30 = vector.broadcast %add3A_29 : i32 to vector<16xi32>
    %add3A_31 = arith.addi %iota3A, %add3A_30 : vector<16xi32>
    tpu.vector_store_idx %arg7[%add3A_31, %get3A_28], %get3A_3 : memref<128x256xf32, #tpu.memory_space<vmem>>[vector<16xi32>, vector<16xi32>], vector<16xf32>,
    %get3A_32 = arith.constant 64 : index
    %get3A_33 = tpu.vector_load %arg5[%get3A_32] {strides = array<i32>} : memref<8192xi32, #tpu.memory_space<vmem>>, vector<16xi32>,
    %add3A_34 = arith.constant 64 : i32
    %add3A_35 = vector.broadcast %add3A_34 : i32 to vector<16xi32>
    %add3A_36 = arith.addi %iota3A, %add3A_35 : vector<16xi32>
    tpu.vector_store_idx %arg7[%add3A_36, %get3A_33], %get3A_3 : memref<128x256xf32, #tpu.memory_space<vmem>>[vector<16xi32>, vector<16xi32>], vector<16xf32>,
    %get3A_37 = arith.constant 80 : index
    %get3A_38 = tpu.vector_load %arg5[%get3A_37] {strides = array<i32>} : memref<8192xi32, #tpu.memory_space<vmem>>, vector<16xi32>,
    %add3A_39 = arith.constant 80 : i32
    %add3A_40 = vector.broadcast %add3A_39 : i32 to vector<16xi32>
    %add3A_41 = arith.addi %iota3A, %add3A_40 : vector<16xi32>
    tpu.vector_store_idx %arg7[%add3A_41, %get3A_38], %get3A_3 : memref<128x256xf32, #tpu.memory_space<vmem>>[vector<16xi32>, vector<16xi32>], vector<16xf32>,
    %get3A_42 = arith.constant 96 : index
    %get3A_43 = tpu.vector_load %arg5[%get3A_42] {strides = array<i32>} : memref<8192xi32, #tpu.memory_space<vmem>>, vector<16xi32>,
    %add3A_44 = arith.constant 96 : i32
    %add3A_45 = vector.broadcast %add3A_44 : i32 to vector<16xi32>
    %add3A_46 = arith.addi %iota3A, %add3A_45 : vector<16xi32>
    tpu.vector_store_idx %arg7[%add3A_46, %get3A_43], %get3A_3 : memref<128x256xf32, #tpu.memory_space<vmem>>[vector<16xi32>, vector<16xi32>], vector<16xf32>,
    %get3A_47 = arith.constant 112 : index
    %get3A_48 = tpu.vector_load %arg5[%get3A_47] {strides = array<i32>} : memref<8192xi32, #tpu.memory_space<vmem>>, vector<16xi32>,
    %add3A_49 = arith.constant 112 : i32
    %add3A_50 = vector.broadcast %add3A_49 : i32 to vector<16xi32>
    %add3A_51 = arith.addi %iota3A, %add3A_50 : vector<16xi32>
    tpu.vector_store_idx %arg7[%add3A_51, %get3A_48], %get3A_3 : memref<128x256xf32, #tpu.memory_space<vmem>>[vector<16xi32>, vector<16xi32>], vector<16xf32>,
    %add3A_52 = arith.constant 0 : i32
    %add3A_53 = arith.addi %mul3A_2, %add3A_52 : i32
    %dma_start3A = arith.constant 0 : i32
    %dma_start3A_54 = tpu.memref_slice %arg4[%add3A_53, %dma_start3A] : memref<262144x256xf32, #tpu.memory_space<hbm>> -> memref<128x256xf32, #tpu.memory_space<hbm>>
    %dma_start3A_55 = arith.constant 0 : i32
    %dma_start3A_56 = tpu.memref_slice %arg4[%add3A_53, %dma_start3A_55] : memref<262144x256xf32, #tpu.memory_space<hbm>> -> memref<128x256xf32, #tpu.memory_space<hbm>>
    tpu.enqueue_dma source(%arg7 : memref<128x256xf32, #tpu.memory_space<vmem>>) target(%dma_start3A_56 : memref<128x256xf32, #tpu.memory_space<hbm>>) target_semaphore(%arg9 : memref<!tpu.dma_semaphore, #tpu.memory_space<semaphore_mem>>)
    %get3A_57 = arith.constant 128 : index
    %get3A_58 = tpu.vector_load %arg5[%get3A_57] {strides = array<i32>} : memref<8192xi32, #tpu.memory_space<vmem>>, vector<16xi32>,
    %add3A_59 = arith.constant 0 : i32
    %add3A_60 = vector.broadcast %add3A_59 : i32 to vector<16xi32>
    %add3A_61 = arith.addi %iota3A, %add3A_60 : vector<16xi32>
    tpu.vector_store_idx %arg8[%add3A_61, %get3A_58], %get3A_3 : memref<128x256xf32, #tpu.memory_space<vmem>>[vector<16xi32>, vector<16xi32>], vector<16xf32>,
    %get3A_62 = arith.constant 144 : index
    %get3A_63 = tpu.vector_load %arg5[%get3A_62] {strides = array<i32>} : memref<8192xi32, #tpu.memory_space<vmem>>, vector<16xi32>,
    %add3A_64 = arith.constant 16 : i32
    %add3A_65 = vector.broadcast %add3A_64 : i32 to vector<16xi32>
    %add3A_66 = arith.addi %iota3A, %add3A_65 : vector<16xi32>
    tpu.vector_store_idx %arg8[%add3A_66, %get3A_63], %get3A_3 : memref<128x256xf32, #tpu.memory_space<vmem>>[vector<16xi32>, vector<16xi32>], vector<16xf32>,
    %get3A_67 = arith.constant 160 : index
    %get3A_68 = tpu.vector_load %arg5[%get3A_67] {strides = array<i32>} : memref<8192xi32, #tpu.memory_space<vmem>>, vector<16xi32>,
    %add3A_69 = arith.constant 32 : i32
    %add3A_70 = vector.broadcast %add3A_69 : i32 to vector<16xi32>
    %add3A_71 = arith.addi %iota3A, %add3A_70 : vector<16xi32>
    tpu.vector_store_idx %arg8[%add3A_71, %get3A_68], %get3A_3 : memref<128x256xf32, #tpu.memory_space<vmem>>[vector<16xi32>, vector<16xi32>], vector<16xf32>,
    %get3A_72 = arith.constant 176 : index
    %get3A_73 = tpu.vector_load %arg5[%get3A_72] {strides = array<i32>} : memref<8192xi32, #tpu.memory_space<vmem>>, vector<16xi32>,
    %add3A_74 = arith.constant 48 : i32
    %add3A_75 = vector.broadcast %add3A_74 : i32 to vector<16xi32>
    %add3A_76 = arith.addi %iota3A, %add3A_75 : vector<16xi32>
    tpu.vector_store_idx %arg8[%add3A_76, %get3A_73], %get3A_3 : memref<128x256xf32, #tpu.memory_space<vmem>>[vector<16xi32>, vector<16xi32>], vector<16xf32>,
    %get3A_77 = arith.constant 192 : index
    %get3A_78 = tpu.vector_load %arg5[%get3A_77] {strides = array<i32>} : memref<8192xi32, #tpu.memory_space<vmem>>, vector<16xi32>,
    %add3A_79 = arith.constant 64 : i32
    %add3A_80 = vector.broadcast %add3A_79 : i32 to vector<16xi32>
    %add3A_81 = arith.addi %iota3A, %add3A_80 : vector<16xi32>
    tpu.vector_store_idx %arg8[%add3A_81, %get3A_78], %get3A_3 : memref<128x256xf32, #tpu.memory_space<vmem>>[vector<16xi32>, vector<16xi32>], vector<16xf32>,
    %get3A_82 = arith.constant 208 : index
    %get3A_83 = tpu.vector_load %arg5[%get3A_82] {strides = array<i32>} : memref<8192xi32, #tpu.memory_space<vmem>>, vector<16xi32>,
    %add3A_84 = arith.constant 80 : i32
    %add3A_85 = vector.broadcast %add3A_84 : i32 to vector<16xi32>
    %add3A_86 = arith.addi %iota3A, %add3A_85 : vector<16xi32>
    tpu.vector_store_idx %arg8[%add3A_86, %get3A_83], %get3A_3 : memref<128x256xf32, #tpu.memory_space<vmem>>[vector<16xi32>, vector<16xi32>], vector<16xf32>,
    %get3A_87 = arith.constant 224 : index
    %get3A_88 = tpu.vector_load %arg5[%get3A_87] {strides = array<i32>} : memref<8192xi32, #tpu.memory_space<vmem>>, vector<16xi32>,
    %add3A_89 = arith.constant 96 : i32
    %add3A_90 = vector.broadcast %add3A_89 : i32 to vector<16xi32>
    %add3A_91 = arith.addi %iota3A, %add3A_90 : vector<16xi32>
    tpu.vector_store_idx %arg8[%add3A_91, %get3A_88], %get3A_3 : memref<128x256xf32, #tpu.memory_space<vmem>>[vector<16xi32>, vector<16xi32>], vector<16xf32>,
    %get3A_92 = arith.constant 240 : index
    %get3A_93 = tpu.vector_load %arg5[%get3A_92] {strides = array<i32>} : memref<8192xi32, #tpu.memory_space<vmem>>, vector<16xi32>,
    %add3A_94 = arith.constant 112 : i32
    %add3A_95 = vector.broadcast %add3A_94 : i32 to vector<16xi32>
    %add3A_96 = arith.addi %iota3A, %add3A_95 : vector<16xi32>
    tpu.vector_store_idx %arg8[%add3A_96, %get3A_93], %get3A_3 : memref<128x256xf32, #tpu.memory_space<vmem>>[vector<16xi32>, vector<16xi32>], vector<16xf32>,
    %add3A_97 = arith.constant 128 : i32
    %add3A_98 = arith.addi %mul3A_2, %add3A_97 : i32
    %dma_start3A_99 = arith.constant 0 : i32
    %dma_start3A_100 = tpu.memref_slice %arg4[%add3A_98, %dma_start3A_99] : memref<262144x256xf32, #tpu.memory_space<hbm>> -> memref<128x256xf32, #tpu.memory_space<hbm>>
    %dma_start3A_101 = arith.constant 0 : i32
    %dma_start3A_102 = tpu.memref_slice %arg4[%add3A_98, %dma_start3A_101] : memref<262144x256xf32, #tpu.memory_space<hbm>> -> memref<128x256xf32, #tpu.memory_space<hbm>>
    tpu.enqueue_dma source(%arg8 : memref<128x256xf32, #tpu.memory_space<vmem>>) target(%dma_start3A_102 : memref<128x256xf32, #tpu.memory_space<hbm>>) target_semaphore(%arg10 : memref<!tpu.dma_semaphore, #tpu.memory_space<semaphore_mem>>)
    %scan3A_103 = arith.constant 0 : i32
    %scan3A_104 = arith.constant 0 : i32
    %scan3A_105 = arith.constant 31 : i32
    %scan3A_106 = arith.addi %scan3A_104, %scan3A_105 : i32
    %scan3A_107 = arith.constant 1 : i32
    scf.for %scan3A_120 = %scan3A_104 to %scan3A_106 step %scan3A_107  : i32 {
      %mul3A_121 = arith.constant 2 : i32
      %mul3A_122 = arith.muli %mul3A_121, %scan3A_120 : i32
      %add3A_123 = arith.constant 2 : i32
      %add3A_124 = arith.addi %add3A_123, %mul3A_122 : i32
      %add3A_125 = arith.constant 0 : i32
      %add3A_126 = arith.addi %add3A_124, %add3A_125 : i32
      %sub3A = arith.constant 2 : i32
      %sub3A_127 = arith.subi %add3A_126, %sub3A : i32
      %mul3A_128 = arith.constant 128 : i32
      %mul3A_129 = arith.muli %sub3A_127, %mul3A_128 : i32
      %add3A_130 = arith.addi %mul3A_2, %mul3A_129 : i32
      %dma_wait3A_131 = arith.constant 0 : i32
      %dma_wait3A_132 = tpu.memref_slice %arg4[%add3A_130, %dma_wait3A_131] : memref<262144x256xf32, #tpu.memory_space<hbm>> -> memref<128x256xf32, #tpu.memory_space<hbm>>
      %dma_wait3A_133 = arith.constant 0 : i32
      %dma_wait3A_134 = tpu.memref_slice %arg4[%add3A_130, %dma_wait3A_133] : memref<262144x256xf32, #tpu.memory_space<hbm>> -> memref<128x256xf32, #tpu.memory_space<hbm>>
      tpu.wait_dma2 semaphore(%arg9 : memref<!tpu.dma_semaphore, #tpu.memory_space<semaphore_mem>>) src(%arg7 : memref<128x256xf32, #tpu.memory_space<vmem>>) dst(%dma_wait3A_134 : memref<128x256xf32, #tpu.memory_space<hbm>>)
      %sub3A_135 = arith.constant 2 : i32
      %sub3A_136 = arith.subi %add3A_126, %sub3A_135 : i32
      %mul3A_137 = arith.constant 128 : i32
      %mul3A_138 = arith.muli %sub3A_136, %mul3A_137 : i32
      %add3A_139 = arith.constant 0 : i32
      %add3A_140 = arith.addi %mul3A_138, %add3A_139 : i32
      %get3A_141 = arith.index_cast %add3A_140 : i32 to index
      %get3A_142 = tpu.vector_load %arg5[%get3A_141] {strides = array<i32>} : memref<8192xi32, #tpu.memory_space<vmem>>, vector<16xi32>,
      %add3A_143 = arith.constant 0 : i32
      %add3A_144 = vector.broadcast %add3A_143 : i32 to vector<16xi32>
      %add3A_145 = arith.addi %iota3A, %add3A_144 : vector<16xi32>
      tpu.vector_store_idx %arg7[%add3A_145, %get3A_142], %mul3A_6 : memref<128x256xf32, #tpu.memory_space<vmem>>[vector<16xi32>, vector<16xi32>], vector<16xf32>,
      %add3A_146 = arith.constant 16 : i32
      %add3A_147 = arith.addi %mul3A_138, %add3A_146 : i32
      %get3A_148 = arith.index_cast %add3A_147 : i32 to index
      %get3A_149 = tpu.vector_load %arg5[%get3A_148] {strides = array<i32>} : memref<8192xi32, #tpu.memory_space<vmem>>, vector<16xi32>,
      %add3A_150 = arith.constant 16 : i32
      %add3A_151 = vector.broadcast %add3A_150 : i32 to vector<16xi32>
      %add3A_152 = arith.addi %iota3A, %add3A_151 : vector<16xi32>
      tpu.vector_store_idx %arg7[%add3A_152, %get3A_149], %mul3A_6 : memref<128x256xf32, #tpu.memory_space<vmem>>[vector<16xi32>, vector<16xi32>], vector<16xf32>,
      %add3A_153 = arith.constant 32 : i32
      %add3A_154 = arith.addi %mul3A_138, %add3A_153 : i32
      %get3A_155 = arith.index_cast %add3A_154 : i32 to index
      %get3A_156 = tpu.vector_load %arg5[%get3A_155] {strides = array<i32>} : memref<8192xi32, #tpu.memory_space<vmem>>, vector<16xi32>,
      %add3A_157 = arith.constant 32 : i32
      %add3A_158 = vector.broadcast %add3A_157 : i32 to vector<16xi32>
      %add3A_159 = arith.addi %iota3A, %add3A_158 : vector<16xi32>
      tpu.vector_store_idx %arg7[%add3A_159, %get3A_156], %mul3A_6 : memref<128x256xf32, #tpu.memory_space<vmem>>[vector<16xi32>, vector<16xi32>], vector<16xf32>,
      %add3A_160 = arith.constant 48 : i32
      %add3A_161 = arith.addi %mul3A_138, %add3A_160 : i32
      %get3A_162 = arith.index_cast %add3A_161 : i32 to index
      %get3A_163 = tpu.vector_load %arg5[%get3A_162] {strides = array<i32>} : memref<8192xi32, #tpu.memory_space<vmem>>, vector<16xi32>,
      %add3A_164 = arith.constant 48 : i32
      %add3A_165 = vector.broadcast %add3A_164 : i32 to vector<16xi32>
      %add3A_166 = arith.addi %iota3A, %add3A_165 : vector<16xi32>
      tpu.vector_store_idx %arg7[%add3A_166, %get3A_163], %mul3A_6 : memref<128x256xf32, #tpu.memory_space<vmem>>[vector<16xi32>, vector<16xi32>], vector<16xf32>,
      %add3A_167 = arith.constant 64 : i32
      %add3A_168 = arith.addi %mul3A_138, %add3A_167 : i32
      %get3A_169 = arith.index_cast %add3A_168 : i32 to index
      %get3A_170 = tpu.vector_load %arg5[%get3A_169] {strides = array<i32>} : memref<8192xi32, #tpu.memory_space<vmem>>, vector<16xi32>,
      %add3A_171 = arith.constant 64 : i32
      %add3A_172 = vector.broadcast %add3A_171 : i32 to vector<16xi32>
      %add3A_173 = arith.addi %iota3A, %add3A_172 : vector<16xi32>
      tpu.vector_store_idx %arg7[%add3A_173, %get3A_170], %mul3A_6 : memref<128x256xf32, #tpu.memory_space<vmem>>[vector<16xi32>, vector<16xi32>], vector<16xf32>,
      %add3A_174 = arith.constant 80 : i32
      %add3A_175 = arith.addi %mul3A_138, %add3A_174 : i32
      %get3A_176 = arith.index_cast %add3A_175 : i32 to index
      %get3A_177 = tpu.vector_load %arg5[%get3A_176] {strides = array<i32>} : memref<8192xi32, #tpu.memory_space<vmem>>, vector<16xi32>,
      %add3A_178 = arith.constant 80 : i32
      %add3A_179 = vector.broadcast %add3A_178 : i32 to vector<16xi32>
      %add3A_180 = arith.addi %iota3A, %add3A_179 : vector<16xi32>
      tpu.vector_store_idx %arg7[%add3A_180, %get3A_177], %mul3A_6 : memref<128x256xf32, #tpu.memory_space<vmem>>[vector<16xi32>, vector<16xi32>], vector<16xf32>,
      %add3A_181 = arith.constant 96 : i32
      %add3A_182 = arith.addi %mul3A_138, %add3A_181 : i32
      %get3A_183 = arith.index_cast %add3A_182 : i32 to index
      %get3A_184 = tpu.vector_load %arg5[%get3A_183] {strides = array<i32>} : memref<8192xi32, #tpu.memory_space<vmem>>, vector<16xi32>,
      %add3A_185 = arith.constant 96 : i32
      %add3A_186 = vector.broadcast %add3A_185 : i32 to vector<16xi32>
      %add3A_187 = arith.addi %iota3A, %add3A_186 : vector<16xi32>
      tpu.vector_store_idx %arg7[%add3A_187, %get3A_184], %mul3A_6 : memref<128x256xf32, #tpu.memory_space<vmem>>[vector<16xi32>, vector<16xi32>], vector<16xf32>,
      %add3A_188 = arith.constant 112 : i32
      %add3A_189 = arith.addi %mul3A_138, %add3A_188 : i32
      %get3A_190 = arith.index_cast %add3A_189 : i32 to index
      %get3A_191 = tpu.vector_load %arg5[%get3A_190] {strides = array<i32>} : memref<8192xi32, #tpu.memory_space<vmem>>, vector<16xi32>,
      %add3A_192 = arith.constant 112 : i32
      %add3A_193 = vector.broadcast %add3A_192 : i32 to vector<16xi32>
      %add3A_194 = arith.addi %iota3A, %add3A_193 : vector<16xi32>
      tpu.vector_store_idx %arg7[%add3A_194, %get3A_191], %mul3A_6 : memref<128x256xf32, #tpu.memory_space<vmem>>[vector<16xi32>, vector<16xi32>], vector<16xf32>,
      %mul3A_195 = arith.constant 128 : i32
      %mul3A_196 = arith.muli %add3A_126, %mul3A_195 : i32
      %add3A_197 = arith.constant 0 : i32
      %add3A_198 = arith.addi %mul3A_196, %add3A_197 : i32
      %get3A_199 = arith.index_cast %add3A_198 : i32 to index
      %get3A_200 = tpu.vector_load %arg5[%get3A_199] {strides = array<i32>} : memref<8192xi32, #tpu.memory_space<vmem>>, vector<16xi32>,
      %add3A_201 = arith.constant 0 : i32
      %add3A_202 = vector.broadcast %add3A_201 : i32 to vector<16xi32>
      %add3A_203 = arith.addi %iota3A, %add3A_202 : vector<16xi32>
      tpu.vector_store_idx %arg7[%add3A_203, %get3A_200], %get3A_3 : memref<128x256xf32, #tpu.memory_space<vmem>>[vector<16xi32>, vector<16xi32>], vector<16xf32>,
      %add3A_204 = arith.constant 16 : i32
      %add3A_205 = arith.addi %mul3A_196, %add3A_204 : i32
      %get3A_206 = arith.index_cast %add3A_205 : i32 to index
      %get3A_207 = tpu.vector_load %arg5[%get3A_206] {strides = array<i32>} : memref<8192xi32, #tpu.memory_space<vmem>>, vector<16xi32>,
      %add3A_208 = arith.constant 16 : i32
      %add3A_209 = vector.broadcast %add3A_208 : i32 to vector<16xi32>
      %add3A_210 = arith.addi %iota3A, %add3A_209 : vector<16xi32>
      tpu.vector_store_idx %arg7[%add3A_210, %get3A_207], %get3A_3 : memref<128x256xf32, #tpu.memory_space<vmem>>[vector<16xi32>, vector<16xi32>], vector<16xf32>,
      %add3A_211 = arith.constant 32 : i32
      %add3A_212 = arith.addi %mul3A_196, %add3A_211 : i32
      %get3A_213 = arith.index_cast %add3A_212 : i32 to index
      %get3A_214 = tpu.vector_load %arg5[%get3A_213] {strides = array<i32>} : memref<8192xi32, #tpu.memory_space<vmem>>, vector<16xi32>,
      %add3A_215 = arith.constant 32 : i32
      %add3A_216 = vector.broadcast %add3A_215 : i32 to vector<16xi32>
      %add3A_217 = arith.addi %iota3A, %add3A_216 : vector<16xi32>
      tpu.vector_store_idx %arg7[%add3A_217, %get3A_214], %get3A_3 : memref<128x256xf32, #tpu.memory_space<vmem>>[vector<16xi32>, vector<16xi32>], vector<16xf32>,
      %add3A_218 = arith.constant 48 : i32
      %add3A_219 = arith.addi %mul3A_196, %add3A_218 : i32
      %get3A_220 = arith.index_cast %add3A_219 : i32 to index
      %get3A_221 = tpu.vector_load %arg5[%get3A_220] {strides = array<i32>} : memref<8192xi32, #tpu.memory_space<vmem>>, vector<16xi32>,
      %add3A_222 = arith.constant 48 : i32
      %add3A_223 = vector.broadcast %add3A_222 : i32 to vector<16xi32>
      %add3A_224 = arith.addi %iota3A, %add3A_223 : vector<16xi32>
      tpu.vector_store_idx %arg7[%add3A_224, %get3A_221], %get3A_3 : memref<128x256xf32, #tpu.memory_space<vmem>>[vector<16xi32>, vector<16xi32>], vector<16xf32>,
      %add3A_225 = arith.constant 64 : i32
      %add3A_226 = arith.addi %mul3A_196, %add3A_225 : i32
      %get3A_227 = arith.index_cast %add3A_226 : i32 to index
      %get3A_228 = tpu.vector_load %arg5[%get3A_227] {strides = array<i32>} : memref<8192xi32, #tpu.memory_space<vmem>>, vector<16xi32>,
      %add3A_229 = arith.constant 64 : i32
      %add3A_230 = vector.broadcast %add3A_229 : i32 to vector<16xi32>
      %add3A_231 = arith.addi %iota3A, %add3A_230 : vector<16xi32>
      tpu.vector_store_idx %arg7[%add3A_231, %get3A_228], %get3A_3 : memref<128x256xf32, #tpu.memory_space<vmem>>[vector<16xi32>, vector<16xi32>], vector<16xf32>,
      %add3A_232 = arith.constant 80 : i32
      %add3A_233 = arith.addi %mul3A_196, %add3A_232 : i32
      %get3A_234 = arith.index_cast %add3A_233 : i32 to index
      %get3A_235 = tpu.vector_load %arg5[%get3A_234] {strides = array<i32>} : memref<8192xi32, #tpu.memory_space<vmem>>, vector<16xi32>,
      %add3A_236 = arith.constant 80 : i32
      %add3A_237 = vector.broadcast %add3A_236 : i32 to vector<16xi32>
      %add3A_238 = arith.addi %iota3A, %add3A_237 : vector<16xi32>
      tpu.vector_store_idx %arg7[%add3A_238, %get3A_235], %get3A_3 : memref<128x256xf32, #tpu.memory_space<vmem>>[vector<16xi32>, vector<16xi32>], vector<16xf32>,
      %add3A_239 = arith.constant 96 : i32
      %add3A_240 = arith.addi %mul3A_196, %add3A_239 : i32
      %get3A_241 = arith.index_cast %add3A_240 : i32 to index
      %get3A_242 = tpu.vector_load %arg5[%get3A_241] {strides = array<i32>} : memref<8192xi32, #tpu.memory_space<vmem>>, vector<16xi32>,
      %add3A_243 = arith.constant 96 : i32
      %add3A_244 = vector.broadcast %add3A_243 : i32 to vector<16xi32>
      %add3A_245 = arith.addi %iota3A, %add3A_244 : vector<16xi32>
      tpu.vector_store_idx %arg7[%add3A_245, %get3A_242], %get3A_3 : memref<128x256xf32, #tpu.memory_space<vmem>>[vector<16xi32>, vector<16xi32>], vector<16xf32>,
      %add3A_246 = arith.constant 112 : i32
      %add3A_247 = arith.addi %mul3A_196, %add3A_246 : i32
      %get3A_248 = arith.index_cast %add3A_247 : i32 to index
      %get3A_249 = tpu.vector_load %arg5[%get3A_248] {strides = array<i32>} : memref<8192xi32, #tpu.memory_space<vmem>>, vector<16xi32>,
      %add3A_250 = arith.constant 112 : i32
      %add3A_251 = vector.broadcast %add3A_250 : i32 to vector<16xi32>
      %add3A_252 = arith.addi %iota3A, %add3A_251 : vector<16xi32>
      tpu.vector_store_idx %arg7[%add3A_252, %get3A_249], %get3A_3 : memref<128x256xf32, #tpu.memory_space<vmem>>[vector<16xi32>, vector<16xi32>], vector<16xf32>,
      %mul3A_253 = arith.constant 128 : i32
      %mul3A_254 = arith.muli %add3A_126, %mul3A_253 : i32
      %add3A_255 = arith.addi %mul3A_2, %mul3A_254 : i32
      %dma_start3A_256 = arith.constant 0 : i32
      %dma_start3A_257 = tpu.memref_slice %arg4[%add3A_255, %dma_start3A_256] : memref<262144x256xf32, #tpu.memory_space<hbm>> -> memref<128x256xf32, #tpu.memory_space<hbm>>
      %dma_start3A_258 = arith.constant 0 : i32
      %dma_start3A_259 = tpu.memref_slice %arg4[%add3A_255, %dma_start3A_258] : memref<262144x256xf32, #tpu.memory_space<hbm>> -> memref<128x256xf32, #tpu.memory_space<hbm>>
      tpu.enqueue_dma source(%arg7 : memref<128x256xf32, #tpu.memory_space<vmem>>) target(%dma_start3A_259 : memref<128x256xf32, #tpu.memory_space<hbm>>) target_semaphore(%arg9 : memref<!tpu.dma_semaphore, #tpu.memory_space<semaphore_mem>>)
      %add3A_260 = arith.constant 1 : i32
      %add3A_261 = arith.addi %add3A_124, %add3A_260 : i32
      %sub3A_262 = arith.constant 2 : i32
      %sub3A_263 = arith.subi %add3A_261, %sub3A_262 : i32
      %mul3A_264 = arith.constant 128 : i32
      %mul3A_265 = arith.muli %sub3A_263, %mul3A_264 : i32
      %add3A_266 = arith.addi %mul3A_2, %mul3A_265 : i32
      %dma_wait3A_267 = arith.constant 0 : i32
      %dma_wait3A_268 = tpu.memref_slice %arg4[%add3A_266, %dma_wait3A_267] : memref<262144x256xf32, #tpu.memory_space<hbm>> -> memref<128x256xf32, #tpu.memory_space<hbm>>
      %dma_wait3A_269 = arith.constant 0 : i32
      %dma_wait3A_270 = tpu.memref_slice %arg4[%add3A_266, %dma_wait3A_269] : memref<262144x256xf32, #tpu.memory_space<hbm>> -> memref<128x256xf32, #tpu.memory_space<hbm>>
      tpu.wait_dma2 semaphore(%arg10 : memref<!tpu.dma_semaphore, #tpu.memory_space<semaphore_mem>>) src(%arg8 : memref<128x256xf32, #tpu.memory_space<vmem>>) dst(%dma_wait3A_270 : memref<128x256xf32, #tpu.memory_space<hbm>>)
      %sub3A_271 = arith.constant 2 : i32
      %sub3A_272 = arith.subi %add3A_261, %sub3A_271 : i32
      %mul3A_273 = arith.constant 128 : i32
      %mul3A_274 = arith.muli %sub3A_272, %mul3A_273 : i32
      %add3A_275 = arith.constant 0 : i32
      %add3A_276 = arith.addi %mul3A_274, %add3A_275 : i32
      %get3A_277 = arith.index_cast %add3A_276 : i32 to index
      %get3A_278 = tpu.vector_load %arg5[%get3A_277] {strides = array<i32>} : memref<8192xi32, #tpu.memory_space<vmem>>, vector<16xi32>,
      %add3A_279 = arith.constant 0 : i32
      %add3A_280 = vector.broadcast %add3A_279 : i32 to vector<16xi32>
      %add3A_281 = arith.addi %iota3A, %add3A_280 : vector<16xi32>
      tpu.vector_store_idx %arg8[%add3A_281, %get3A_278], %mul3A_6 : memref<128x256xf32, #tpu.memory_space<vmem>>[vector<16xi32>, vector<16xi32>], vector<16xf32>,
      %add3A_282 = arith.constant 16 : i32
      %add3A_283 = arith.addi %mul3A_274, %add3A_282 : i32
      %get3A_284 = arith.index_cast %add3A_283 : i32 to index
      %get3A_285 = tpu.vector_load %arg5[%get3A_284] {strides = array<i32>} : memref<8192xi32, #tpu.memory_space<vmem>>, vector<16xi32>,
      %add3A_286 = arith.constant 16 : i32
      %add3A_287 = vector.broadcast %add3A_286 : i32 to vector<16xi32>
      %add3A_288 = arith.addi %iota3A, %add3A_287 : vector<16xi32>
      tpu.vector_store_idx %arg8[%add3A_288, %get3A_285], %mul3A_6 : memref<128x256xf32, #tpu.memory_space<vmem>>[vector<16xi32>, vector<16xi32>], vector<16xf32>,
      %add3A_289 = arith.constant 32 : i32
      %add3A_290 = arith.addi %mul3A_274, %add3A_289 : i32
      %get3A_291 = arith.index_cast %add3A_290 : i32 to index
      %get3A_292 = tpu.vector_load %arg5[%get3A_291] {strides = array<i32>} : memref<8192xi32, #tpu.memory_space<vmem>>, vector<16xi32>,
      %add3A_293 = arith.constant 32 : i32
      %add3A_294 = vector.broadcast %add3A_293 : i32 to vector<16xi32>
      %add3A_295 = arith.addi %iota3A, %add3A_294 : vector<16xi32>
      tpu.vector_store_idx %arg8[%add3A_295, %get3A_292], %mul3A_6 : memref<128x256xf32, #tpu.memory_space<vmem>>[vector<16xi32>, vector<16xi32>], vector<16xf32>,
      %add3A_296 = arith.constant 48 : i32
      %add3A_297 = arith.addi %mul3A_274, %add3A_296 : i32
      %get3A_298 = arith.index_cast %add3A_297 : i32 to index
      %get3A_299 = tpu.vector_load %arg5[%get3A_298] {strides = array<i32>} : memref<8192xi32, #tpu.memory_space<vmem>>, vector<16xi32>,
      %add3A_300 = arith.constant 48 : i32
      %add3A_301 = vector.broadcast %add3A_300 : i32 to vector<16xi32>
      %add3A_302 = arith.addi %iota3A, %add3A_301 : vector<16xi32>
      tpu.vector_store_idx %arg8[%add3A_302, %get3A_299], %mul3A_6 : memref<128x256xf32, #tpu.memory_space<vmem>>[vector<16xi32>, vector<16xi32>], vector<16xf32>,
      %add3A_303 = arith.constant 64 : i32
      %add3A_304 = arith.addi %mul3A_274, %add3A_303 : i32
      %get3A_305 = arith.index_cast %add3A_304 : i32 to index
      %get3A_306 = tpu.vector_load %arg5[%get3A_305] {strides = array<i32>} : memref<8192xi32, #tpu.memory_space<vmem>>, vector<16xi32>,
      %add3A_307 = arith.constant 64 : i32
      %add3A_308 = vector.broadcast %add3A_307 : i32 to vector<16xi32>
      %add3A_309 = arith.addi %iota3A, %add3A_308 : vector<16xi32>
      tpu.vector_store_idx %arg8[%add3A_309, %get3A_306], %mul3A_6 : memref<128x256xf32, #tpu.memory_space<vmem>>[vector<16xi32>, vector<16xi32>], vector<16xf32>,
      %add3A_310 = arith.constant 80 : i32
      %add3A_311 = arith.addi %mul3A_274, %add3A_310 : i32
      %get3A_312 = arith.index_cast %add3A_311 : i32 to index
      %get3A_313 = tpu.vector_load %arg5[%get3A_312] {strides = array<i32>} : memref<8192xi32, #tpu.memory_space<vmem>>, vector<16xi32>,
      %add3A_314 = arith.constant 80 : i32
      %add3A_315 = vector.broadcast %add3A_314 : i32 to vector<16xi32>
      %add3A_316 = arith.addi %iota3A, %add3A_315 : vector<16xi32>
      tpu.vector_store_idx %arg8[%add3A_316, %get3A_313], %mul3A_6 : memref<128x256xf32, #tpu.memory_space<vmem>>[vector<16xi32>, vector<16xi32>], vector<16xf32>,
      %add3A_317 = arith.constant 96 : i32
      %add3A_318 = arith.addi %mul3A_274, %add3A_317 : i32
      %get3A_319 = arith.index_cast %add3A_318 : i32 to index
      %get3A_320 = tpu.vector_load %arg5[%get3A_319] {strides = array<i32>} : memref<8192xi32, #tpu.memory_space<vmem>>, vector<16xi32>,
      %add3A_321 = arith.constant 96 : i32
      %add3A_322 = vector.broadcast %add3A_321 : i32 to vector<16xi32>
      %add3A_323 = arith.addi %iota3A, %add3A_322 : vector<16xi32>
      tpu.vector_store_idx %arg8[%add3A_323, %get3A_320], %mul3A_6 : memref<128x256xf32, #tpu.memory_space<vmem>>[vector<16xi32>, vector<16xi32>], vector<16xf32>,
      %add3A_324 = arith.constant 112 : i32
      %add3A_325 = arith.addi %mul3A_274, %add3A_324 : i32
      %get3A_326 = arith.index_cast %add3A_325 : i32 to index
      %get3A_327 = tpu.vector_load %arg5[%get3A_326] {strides = array<i32>} : memref<8192xi32, #tpu.memory_space<vmem>>, vector<16xi32>,
      %add3A_328 = arith.constant 112 : i32
      %add3A_329 = vector.broadcast %add3A_328 : i32 to vector<16xi32>
      %add3A_330 = arith.addi %iota3A, %add3A_329 : vector<16xi32>
      tpu.vector_store_idx %arg8[%add3A_330, %get3A_327], %mul3A_6 : memref<128x256xf32, #tpu.memory_space<vmem>>[vector<16xi32>, vector<16xi32>], vector<16xf32>,
      %mul3A_331 = arith.constant 128 : i32
      %mul3A_332 = arith.muli %add3A_261, %mul3A_331 : i32
      %add3A_333 = arith.constant 0 : i32
      %add3A_334 = arith.addi %mul3A_332, %add3A_333 : i32
      %get3A_335 = arith.index_cast %add3A_334 : i32 to index
      %get3A_336 = tpu.vector_load %arg5[%get3A_335] {strides = array<i32>} : memref<8192xi32, #tpu.memory_space<vmem>>, vector<16xi32>,
      %add3A_337 = arith.constant 0 : i32
      %add3A_338 = vector.broadcast %add3A_337 : i32 to vector<16xi32>
      %add3A_339 = arith.addi %iota3A, %add3A_338 : vector<16xi32>
      tpu.vector_store_idx %arg8[%add3A_339, %get3A_336], %get3A_3 : memref<128x256xf32, #tpu.memory_space<vmem>>[vector<16xi32>, vector<16xi32>], vector<16xf32>,
      %add3A_340 = arith.constant 16 : i32
      %add3A_341 = arith.addi %mul3A_332, %add3A_340 : i32
      %get3A_342 = arith.index_cast %add3A_341 : i32 to index
      %get3A_343 = tpu.vector_load %arg5[%get3A_342] {strides = array<i32>} : memref<8192xi32, #tpu.memory_space<vmem>>, vector<16xi32>,
      %add3A_344 = arith.constant 16 : i32
      %add3A_345 = vector.broadcast %add3A_344 : i32 to vector<16xi32>
      %add3A_346 = arith.addi %iota3A, %add3A_345 : vector<16xi32>
      tpu.vector_store_idx %arg8[%add3A_346, %get3A_343], %get3A_3 : memref<128x256xf32, #tpu.memory_space<vmem>>[vector<16xi32>, vector<16xi32>], vector<16xf32>,
      %add3A_347 = arith.constant 32 : i32
      %add3A_348 = arith.addi %mul3A_332, %add3A_347 : i32
      %get3A_349 = arith.index_cast %add3A_348 : i32 to index
      %get3A_350 = tpu.vector_load %arg5[%get3A_349] {strides = array<i32>} : memref<8192xi32, #tpu.memory_space<vmem>>, vector<16xi32>,
      %add3A_351 = arith.constant 32 : i32
      %add3A_352 = vector.broadcast %add3A_351 : i32 to vector<16xi32>
      %add3A_353 = arith.addi %iota3A, %add3A_352 : vector<16xi32>
      tpu.vector_store_idx %arg8[%add3A_353, %get3A_350], %get3A_3 : memref<128x256xf32, #tpu.memory_space<vmem>>[vector<16xi32>, vector<16xi32>], vector<16xf32>,
      %add3A_354 = arith.constant 48 : i32
      %add3A_355 = arith.addi %mul3A_332, %add3A_354 : i32
      %get3A_356 = arith.index_cast %add3A_355 : i32 to index
      %get3A_357 = tpu.vector_load %arg5[%get3A_356] {strides = array<i32>} : memref<8192xi32, #tpu.memory_space<vmem>>, vector<16xi32>,
      %add3A_358 = arith.constant 48 : i32
      %add3A_359 = vector.broadcast %add3A_358 : i32 to vector<16xi32>
      %add3A_360 = arith.addi %iota3A, %add3A_359 : vector<16xi32>
      tpu.vector_store_idx %arg8[%add3A_360, %get3A_357], %get3A_3 : memref<128x256xf32, #tpu.memory_space<vmem>>[vector<16xi32>, vector<16xi32>], vector<16xf32>,
      %add3A_361 = arith.constant 64 : i32
      %add3A_362 = arith.addi %mul3A_332, %add3A_361 : i32
      %get3A_363 = arith.index_cast %add3A_362 : i32 to index
      %get3A_364 = tpu.vector_load %arg5[%get3A_363] {strides = array<i32>} : memref<8192xi32, #tpu.memory_space<vmem>>, vector<16xi32>,
      %add3A_365 = arith.constant 64 : i32
      %add3A_366 = vector.broadcast %add3A_365 : i32 to vector<16xi32>
      %add3A_367 = arith.addi %iota3A, %add3A_366 : vector<16xi32>
      tpu.vector_store_idx %arg8[%add3A_367, %get3A_364], %get3A_3 : memref<128x256xf32, #tpu.memory_space<vmem>>[vector<16xi32>, vector<16xi32>], vector<16xf32>,
      %add3A_368 = arith.constant 80 : i32
      %add3A_369 = arith.addi %mul3A_332, %add3A_368 : i32
      %get3A_370 = arith.index_cast %add3A_369 : i32 to index
      %get3A_371 = tpu.vector_load %arg5[%get3A_370] {strides = array<i32>} : memref<8192xi32, #tpu.memory_space<vmem>>, vector<16xi32>,
      %add3A_372 = arith.constant 80 : i32
      %add3A_373 = vector.broadcast %add3A_372 : i32 to vector<16xi32>
      %add3A_374 = arith.addi %iota3A, %add3A_373 : vector<16xi32>
      tpu.vector_store_idx %arg8[%add3A_374, %get3A_371], %get3A_3 : memref<128x256xf32, #tpu.memory_space<vmem>>[vector<16xi32>, vector<16xi32>], vector<16xf32>,
      %add3A_375 = arith.constant 96 : i32
      %add3A_376 = arith.addi %mul3A_332, %add3A_375 : i32
      %get3A_377 = arith.index_cast %add3A_376 : i32 to index
      %get3A_378 = tpu.vector_load %arg5[%get3A_377] {strides = array<i32>} : memref<8192xi32, #tpu.memory_space<vmem>>, vector<16xi32>,
      %add3A_379 = arith.constant 96 : i32
      %add3A_380 = vector.broadcast %add3A_379 : i32 to vector<16xi32>
      %add3A_381 = arith.addi %iota3A, %add3A_380 : vector<16xi32>
      tpu.vector_store_idx %arg8[%add3A_381, %get3A_378], %get3A_3 : memref<128x256xf32, #tpu.memory_space<vmem>>[vector<16xi32>, vector<16xi32>], vector<16xf32>,
      %add3A_382 = arith.constant 112 : i32
      %add3A_383 = arith.addi %mul3A_332, %add3A_382 : i32
      %get3A_384 = arith.index_cast %add3A_383 : i32 to index
      %get3A_385 = tpu.vector_load %arg5[%get3A_384] {strides = array<i32>} : memref<8192xi32, #tpu.memory_space<vmem>>, vector<16xi32>,
      %add3A_386 = arith.constant 112 : i32
      %add3A_387 = vector.broadcast %add3A_386 : i32 to vector<16xi32>
      %add3A_388 = arith.addi %iota3A, %add3A_387 : vector<16xi32>
      tpu.vector_store_idx %arg8[%add3A_388, %get3A_385], %get3A_3 : memref<128x256xf32, #tpu.memory_space<vmem>>[vector<16xi32>, vector<16xi32>], vector<16xf32>,
      %mul3A_389 = arith.constant 128 : i32
      %mul3A_390 = arith.muli %add3A_261, %mul3A_389 : i32
      %add3A_391 = arith.addi %mul3A_2, %mul3A_390 : i32
      %dma_start3A_392 = arith.constant 0 : i32
      %dma_start3A_393 = tpu.memref_slice %arg4[%add3A_391, %dma_start3A_392] : memref<262144x256xf32, #tpu.memory_space<hbm>> -> memref<128x256xf32, #tpu.memory_space<hbm>>
      %dma_start3A_394 = arith.constant 0 : i32
      %dma_start3A_395 = tpu.memref_slice %arg4[%add3A_391, %dma_start3A_394] : memref<262144x256xf32, #tpu.memory_space<hbm>> -> memref<128x256xf32, #tpu.memory_space<hbm>>
      tpu.enqueue_dma source(%arg8 : memref<128x256xf32, #tpu.memory_space<vmem>>) target(%dma_start3A_395 : memref<128x256xf32, #tpu.memory_space<hbm>>) target_semaphore(%arg10 : memref<!tpu.dma_semaphore, #tpu.memory_space<semaphore_mem>>)
    }
    %scan3A_108 = arith.constant 31 : i32
    %add3A_109 = arith.constant 0 : i32
    %add3A_110 = arith.addi %mul3A_2, %add3A_109 : i32
    %dma_wait3A = arith.constant 0 : i32
    %dma_wait3A_111 = tpu.memref_slice %arg4[%add3A_110, %dma_wait3A] : memref<262144x256xf32, #tpu.memory_space<hbm>> -> memref<128x256xf32, #tpu.memory_space<hbm>>
    %dma_wait3A_112 = arith.constant 0 : i32
    %dma_wait3A_113 = tpu.memref_slice %arg4[%add3A_110, %dma_wait3A_112] : memref<262144x256xf32, #tpu.memory_space<hbm>> -> memref<128x256xf32, #tpu.memory_space<hbm>>
    tpu.wait_dma2 semaphore(%arg9 : memref<!tpu.dma_semaphore, #tpu.memory_space<semaphore_mem>>) src(%arg7 : memref<128x256xf32, #tpu.memory_space<vmem>>) dst(%dma_wait3A_113 : memref<128x256xf32, #tpu.memory_space<hbm>>)
    %add3A_114 = arith.constant 0 : i32
    %add3A_115 = arith.addi %mul3A_2, %add3A_114 : i32
    %dma_wait3A_116 = arith.constant 0 : i32
    %dma_wait3A_117 = tpu.memref_slice %arg4[%add3A_115, %dma_wait3A_116] : memref<262144x256xf32, #tpu.memory_space<hbm>> -> memref<128x256xf32, #tpu.memory_space<hbm>>
    %dma_wait3A_118 = arith.constant 0 : i32
    %dma_wait3A_119 = tpu.memref_slice %arg4[%add3A_115, %dma_wait3A_118] : memref<262144x256xf32, #tpu.memory_space<hbm>> -> memref<128x256xf32, #tpu.memory_space<hbm>>
    tpu.wait_dma2 semaphore(%arg10 : memref<!tpu.dma_semaphore, #tpu.memory_space<semaphore_mem>>) src(%arg8 : memref<128x256xf32, #tpu.memory_space<vmem>>) dst(%dma_wait3A_119 : memref<128x256xf32, #tpu.memory_space<hbm>>)
    return
  }
}

</mosaic_0001>

<sc_bundles>
// kernel: kernel.3.cloned.1.call-start
scs
__scs_entry_jumppad:
0x0: {  	(pc) =	sbr.rel $0x88, $3  }
0x1: {  	(tag) =	ssettag $0x0;
	lr =	simm.s32 $0x1  }
0x2: {  	[smem:$0x3F9F] =	sst lr;
	_ =	strace $0xD0000000  }
0x3: {  	_ = 	snop  }
0x4: {  	_ = 	snop  }
0x5: {  	_ = 	snop  }
0x6: {  	_ = 	snop  }
0x7: {  	_ = 	snop  }
__scs_overlays_trampoline_lowered:
0x8: {  	[smem:$0x3FAE] =	sst s0  }
0x9: {  	[smem:$0x3FAF] =	sst s1  }
0xa: {  	[smem:$0x3FB0] =	sst s2  }
0xb: {  	[smem:$0x3FB1] =	sst s3  }
0xc: {  	[smem:$0x3FB2] =	sst s4  }
0xd: {  	[smem:$0x3FB3] =	sst s5  }
0xe: {  	[smem:$0x3FB4] =	sst s6  }
0xf: {  	[smem:$0x3FB5] =	sst s7  }
0x10: {  	[smem:$0x3FB6] =	sst s8  }
0x11: {  	[smem:$0x3FB7] =	sst s9;
	s0 =	simm.s32 @!p0 $0x0  }
0x12: {  	s1 =	sld [smem:$0x3F9D];
	s0 =	simm.s32 @p0 $0x1  }
0x13: {  	[smem:$0x3FB8] =	sst s0;
	s0 =	simm.s32 @!p1 $0x0  }
0x14: {  	s2 =	sld [smem:$0x3F9C];
	s0 =	simm.s32 @p1 $0x1  }
0x15: {  	[smem:$0x3FB9] =	sst s0;
	s0 =	simm.s32 @!p2 $0x0  }
0x16: {  	s3 =	sld [smem:$0x3FDB];
	s0 =	simm.s32 @p2 $0x1  }
0x17: {  	s4 =	simm.s32 $0x1BF5;
	[smem:$0x3FBB] =	sst s0  }
0x18: {  	s0 =	sld [smem:$0x3F9E];
	_ =	swait.ge [sflag:s4], $0x0  }
0x19: {  	s7 =	sld [smem:$0x3F9F]  }
0x1a: {  	s8 =	sadd.s32 $0xFFFFE003, lr  }
0x1b: {  	s9 =	sadd.s32 $0xFFFFFEF7, lr;
	s5 =	simm.s32 $0xFFFFFFFF;
	p2 =	slt.u32 s8, $0xFFFFF086  }
0x1c: {  	p1 =	slt.u32 s9, $0xF7A;
	s5 =	simm.s32 @!p2 $0x0  }
0x1d: {  	s5 =	simm.s32 @p1 $0x1;
	p0 =	seq.s32 s7, s2  }
0x1e: {  	s7 =	smul.u32 @!p0 $0xF7A, s2;
	p2 =	seq.s32 @!p0 s5, $0x0  }
0x1f: {  	s9 =	smul.u32 $0xF7A, s1;
	s8 =	simm.s32 @!p0 $0x1BF5;
	p2 =	por !p2, p0  }
0x20: {  	[sflag:s8] =	ssyncset.s32 @!p0 $0xFFFFF086;
	s6 =	sadd.s32 @!p0 s3, s7;
	s7 =	simm.s32 @!p0 $0x108  }
0x21: {  	s3 =	sadd.s32 s3, s9;
	s6 =	sadd.s32 @!p0 $0x88, s6;
	s7 =	simm.s32 @p2 $0x1082  }
0x22: {  	[simem:s7], [sflag:s8] =	dma.local @!p0 [hbm:s6], $0xF7A  }
0x23: {  	s9 =	sor.u32 $0xD0000000, s2;
	s6 =	simm.s32 $0x108;
	_ =	swait.ge @!p0 [sflag:s8], $0x0  }
0x24: {  	s3 =	sadd.s32 $0x88, s3;
	s6 =	simm.s32 @!p1 $0x1082;
	[sflag:s4] =	ssyncset.s32 $0xFFFFF086  }
0x25: {  	[simem:s6], [sflag:s4] =	dma.local [hbm:s3], $0xF7A  }
0x26: {  	[smem:$0x3F9F] =	sst s1;
	(tag) =	ssettag s2;
	_ =	strace s9  }
0x27: {  	s1 =	sld [smem:$0x3FAF]  }
0x28: {  	s2 =	sld [smem:$0x3FB0]  }
0x29: {  	s4 =	sld [smem:$0x3FB2]  }
0x2a: {  	p0 =	seq.s32 s5, $0x0;
	s5 =	sld [smem:$0x3FB3]  }
0x2b: {  	s6 =	sld [smem:$0x3FB4]  }
0x2c: {  	s7 =	sld [smem:$0x3FB5]  }
0x2d: {  	s3 =	simm.s32 $0x108;
	s8 =	sld [smem:$0x3FB6]  }
0x2e: {  	s3 =	simm.s32 @!p0 $0x1082;
	s9 =	sld [smem:$0x3FB7]  }
0x2f: {  	lr =	sadd.s32 s0, s3;
	s0 =	sld [smem:$0x3FAE]  }
0x30: {  	s3 =	sld [smem:$0x3FB1]  }
0x31: {  	[smem:$0x3FBA] =	sst s10  }
0x32: {  	s10 =	sld [smem:$0x3FB8];
	_ =	sdelay $0x3  }
0x33: {  	p0 =	seq.s32 s10, $0x1;
	s10 =	sld [smem:$0x3FBA];
	_ =	sdelay $0x3  }
0x34: {  	[smem:$0x3FBA] =	sst s10  }
0x35: {  	s10 =	sld [smem:$0x3FB9];
	_ =	sdelay $0x3  }
0x36: {  	p1 =	seq.s32 s10, $0x1;
	s10 =	sld [smem:$0x3FBA];
	_ =	sdelay $0x3  }
0x37: {  	[smem:$0x3FBA] =	sst s10  }
0x38: {  	s10 =	sld [smem:$0x3FBB]  }
0x39: {  	_ = 	snop;
	(pc) =	sbr.ind lr, $3  }
0x3a: {  	_ = 	snop  }
0x3b: {  	_ = 	snop  }
0x3c: {  	p2 =	seq.s32 s10, $0x1;
	s10 =	sld [smem:$0x3FBA]  }
0x3d: {  	_ =	shalt  }
0x3e: {  	_ =	shalt  }
0x3f: {  	_ =	shalt  }
0x40: {  	_ =	shalt  }
0x41: {  	_ =	shalt  }
0x42: {  	_ =	shalt  }
0x43: {  	_ =	shalt  }
0x44: {  	_ =	shalt  }
0x45: {  	_ =	shalt  }
0x46: {  	_ =	shalt  }
0x47: {  	_ =	shalt  }
0x48: {  	_ =	shalt  }
0x49: {  	_ =	shalt  }
0x4a: {  	_ =	shalt  }
0x4b: {  	_ =	shalt  }
0x4c: {  	_ =	shalt  }
0x4d: {  	_ =	shalt  }
0x4e: {  	_ =	shalt  }
0x4f: {  	_ =	shalt  }
0x50: {  	_ =	shalt  }
0x51: {  	_ =	shalt  }
0x52: {  	_ =	shalt  }
0x53: {  	_ =	shalt  }
0x54: {  	_ =	shalt  }
0x55: {  	_ =	shalt  }
0x56: {  	_ =	shalt  }
0x57: {  	_ =	shalt  }
0x58: {  	_ =	shalt  }
0x59: {  	_ =	shalt  }
0x5a: {  	_ =	shalt  }
0x5b: {  	_ =	shalt  }
0x5c: {  	_ =	shalt  }
0x5d: {  	_ =	shalt  }
0x5e: {  	_ =	shalt  }
0x5f: {  	_ =	shalt  }
0x60: {  	_ =	shalt  }
0x61: {  	_ =	shalt  }
0x62: {  	_ =	shalt  }
0x63: {  	_ =	shalt  }
0x64: {  	_ =	shalt  }
0x65: {  	_ =	shalt  }
0x66: {  	_ =	shalt  }
0x67: {  	_ =	shalt  }
0x68: {  	_ =	shalt  }
0x69: {  	_ =	shalt  }
0x6a: {  	_ =	shalt  }
0x6b: {  	_ =	shalt  }
0x6c: {  	_ =	shalt  }
0x6d: {  	_ =	shalt  }
0x6e: {  	_ =	shalt  }
0x6f: {  	_ =	shalt  }
0x70: {  	_ =	shalt  }
0x71: {  	_ =	shalt  }
0x72: {  	_ =	shalt  }
0x73: {  	_ =	shalt  }
0x74: {  	_ =	shalt  }
0x75: {  	_ =	shalt  }
0x76: {  	_ =	shalt  }
0x77: {  	_ =	shalt  }
0x78: {  	_ =	shalt  }
0x79: {  	_ =	shalt  }
0x7a: {  	_ =	shalt  }
0x7b: {  	_ =	shalt  }
0x7c: {  	_ =	shalt  }
0x7d: {  	_ =	shalt  }
0x7e: {  	_ =	shalt  }
0x7f: {  	_ =	shalt  }
0x80: {  	_ =	shalt  }
0x81: {  	_ =	shalt  }
0x82: {  	_ =	shalt  }
0x83: {  	_ =	shalt  }
0x84: {  	_ =	shalt  }
0x85: {  	_ =	shalt  }
0x86: {  	_ =	shalt  }
0x87: {  	_ =	shalt  }
.Lfunc_end0:
.L_simem_size_0:
called_computation_lowered:
.L_overlay_start_0:
0x88: {  	s2 =	sld [smem:$0x3FD9]  }
0x89: {  	s3 =	sld [smem:$0x3FFE];
	_ =	sdelay $0x1  }
0x8a: {  	s1 =	srdreg.scid  }
0x8b: {  	s0 =	sand.u32 $0x1, s1  }
0x8c: {  	s17 =	sshll.u32 s0, $0xA;
	s2 =	sadd.s32 s3, s2  }
0x8d: {  	s2 =	sadd.s32 s2, s17  }
0x8e: {  	[smem:$0x3FC6] =	sst s2  }
0x8f: {  	_ = 	snop  }
0x90: {  	s2 =	sld [smem:$0x3FC9]  }
0x91: {  	s18 =	sld [smem:$0x3FD0];
	(tm) =	ssettm $0x1  }
0x92: {  	s4 =	sld [smem:$0x3FFB];
	_ =	sdelay $0x3  }
0x93: {  	_ =	strace s4  }
0x94: {  	s4 =	sld [smem:$0x3FFC];
	_ =	sdelay $0x3  }
0x95: {  	_ =	strace s4  }
0x96: {  	s4 =	sld [smem:$0x3FFD];
	_ =	sdelay $0x3  }
0x97: {  	_ =	strace s4  }
0x98: {  	_ =	strace $0x8FFFFFFF  }
0x99: {  	s19 =	sld [smem:$0x3FDB];
	_ =	sdelay $0x1  }
0x9a: {  	s5 =	simm.s32 $_scs_section_size  }
0x9b: {  	s6 =	simm.s32 $_size__tile_overlayer_lowered;
	s7 =	simm.s32 $_tile_overlayer_lowered  }
0x9c: {  	s22 =	simm.s32 $0x1BFF;
	s21 =	sshll.u32 s7, $0x1;
	s4 =	sadd.s32 s5, s19  }
0x9d: {  	s8 =	simm.s32 $0x0;
	s20 =	sshll.u32 s6, $0x1;
	s6 =	sadd.s32 s21, s4  }
0x9e: {  	[timem:s8], [sflag:s22] =	dma.local [hbm:s6], s20  }
0x9f: {  	_ =	swait.ge [sflag:s22], s20  }
0xa0: {  	s5 =	ssub.s32 $0x0, s20;
	[sflag:s22] =	ssyncset.done $0x0  }
0xa1: {  	[sflag:s22] =	ssyncadd.s32 s5;
	_ =	sdelay $0x1  }
0xa2: {  	s23 =	simm.s32 $0x1B8B  }
0xa3: {  	_ =	swait.ge [sflag:s23], $0x1  }
0xa4: {  	[sflag:s23] =	ssyncset.done $0x0  }
0xa5: {  	s25 =	simm.s32 $0x1B8E;
	s24 =	sld [smem:$0x3FFE];
	[sflag:s23] =	ssyncadd.s32 $0xFFFFFFFF  }
0xa6: {  	s26 =	simm.s32 $execute0_lowered;
	[smem:$0x3FD2] =	sst s25  }
0xa7: {  	s6 =	sshll.u32 s26, $0x1;
	_ =	strace $0x80000046;
	[dreg:$0x1] =	wrdreg $0xFFFFFFFF  }
0xa8: {  	s28 =	simm.s32 $_size_execute0_lowered;
	s4 =	sadd.s32 s4, s6;
	[dreg:$0x0] =	wrdreg $0x0  }
0xa9: {  	s6 =	sshll.u32 s28, $0x1;
	[dreg:$0x2] =	wrdreg s4  }
0xaa: {  	[dreg:$0x3] =	wrdreg s6  }
0xab: {  	[dreg:$0x4] =	wrdreg $0xC0  }
0xac: {  	_ =	task [dreg:s8], $0x5FFFF  }
0xad: {  	[dreg:$0x1] =	wrdreg $0xFFFFFFFF  }
0xae: {  	[dreg:$0x0] =	wrdreg $0x60  }
0xaf: {  	[dreg:$0x2] =	wrdreg s2  }
0xb0: {  	[dreg:$0x3] =	wrdreg s24  }
0xb1: {  	[dreg:$0x4] =	wrdreg s18  }
0xb2: {  	[dreg:$0x5] =	wrdreg $0x9  }
0xb3: {  	_ =	task.clear_ibuf [dreg:s8], $0x6FFFF;
	_ =	strace $0x90000046  }
0xb4: {  	s29 =	simm.s32 $0x9;
	_ =	strace $0x80000048  }
0xb5: {  	_ =	swait.ge [sflag:s29], $0x1  }
0xb6: {  	[sflag:s29] =	ssyncadd.s32 $0xFFFFFFFF  }
0xb7: {  	_ =	strace $0x90000048  }
0xb8: {  	_ =	sfence  }
0xb9: {  	s30 =	sld [smem:$0x0];
	_ =	sdelay $0x2  }
0xba: {  	s31 =	sshll.u32 s1, $0xD;
	s1 =	sshrl.u32 s1, $0x2  }
0xbb: {  	s3 =	sand.u32 $0x4000, s31;
	s1 =	sadd.s32 s1, s30  }
0xbc: {  	s0 =	sor.u32 s3, s0;
	s1 =	sshll.u32 s1, $0x11  }
0xbd: {  	s0 =	sor.u32 s1, s0  }
0xbe: {  	s0 =	sadd.s32 $0x8F2B, s0  }
0xbf: {  	[sflag:s0] =	ssyncadd.remote.s32 $0x1  }
0xc0: {  	_ =	sfence.sel $0xFFFF  }
0xc1: {  	[dreg:$0x0] =	wrdreg $0xFFFFFFFF;
	(pc) =	sbr.abs _section_cstart, $3  }
0xc2: {  	[dreg:$0x1] =	wrdreg $0xFFFFFFFF  }
0xc3: {  	_ =	task.clear_ibuf [dreg:s8], $0x2FFFF;
	_ =	strace $0x9FFFFFFF  }
0xc4: {  	(tm) =	ssettm $0x7FFFFFFF  }
0xc5: {  	_ =	shalt  }
tec
execute0_lowered:
.L_overlay_start_1:
0x0: {  	(tag) =	ssettag $0x1  }
0x1: {  	v0 =	vimm.s32 $0xB80;
	vm14 =	vcmask $0x300  }
0x2: {  	v1 =	vimm.s32 $0x1B80;
	vm13 =	vcmask $0x704;
	vm12 =	vcmask $0xB08  }
0x3: {  	vm11 =	vcmask $0xF0C;
	vm10 =	vcmask $0x1310;
	vm9 =	vcmask $0x1714  }
0x4: {  	vm8 =	vcmask $0x1B18;
	vm7 =	vcmask $0x1F1C;
	vm6 =	vcmask $0x2320  }
0x5: {  	vm5 =	vcmask $0x2724;
	vm4 =	vcmask $0x2B28;
	vm3 =	vcmask $0x2F2C  }
0x6: {  	vm2 =	vcmask $0x3330;
	vm1 =	vcmask $0x3734;
	vm0 =	vcmask $0x3B38  }
0x7: {  	v2 =	vimm.s32 $0x2B80;
	v3 =	vimm.s32 $0x3B80;
	v4 =	vimm.s32 $0x4B80  }
0x8: {  	v5 =	vimm.s32 $0x5B80;
	v6 =	vimm.s32 $0x6B80;
	v7 =	vimm.s32 $0x7B80  }
0x9: {  	v0 =	vsel vm14, $0x0, v0;
	v1 =	vsel vm14, $0x1000, v1;
	v2 =	vsel vm14, $0x2000, v2  }
0xa: {  	v3 =	vsel vm14, $0x3000, v3;
	v4 =	vsel vm14, $0x4000, v4;
	v5 =	vsel vm14, $0x5000, v5  }
0xb: {  	v6 =	vsel vm14, $0x6000, v6;
	v7 =	vsel vm14, $0x7000, v7;
	v0 =	vsel vm13, $0x80, v0  }
0xc: {  	v1 =	vsel vm13, $0x1080, v1;
	v2 =	vsel vm13, $0x2080, v2;
	v3 =	vsel vm13, $0x3080, v3  }
0xd: {  	v4 =	vsel vm13, $0x4080, v4;
	v5 =	vsel vm13, $0x5080, v5;
	v6 =	vsel vm13, $0x6080, v6  }
0xe: {  	v7 =	vsel vm13, $0x7080, v7;
	v0 =	vsel vm12, $0x100, v0;
	v1 =	vsel vm12, $0x1100, v1  }
0xf: {  	v2 =	vsel vm12, $0x2100, v2;
	v3 =	vsel vm12, $0x3100, v3;
	v4 =	vsel vm12, $0x4100, v4  }
0x10: {  	v5 =	vsel vm12, $0x5100, v5;
	v6 =	vsel vm12, $0x6100, v6;
	v7 =	vsel vm12, $0x7100, v7  }
0x11: {  	v0 =	vsel vm11, $0x180, v0;
	v1 =	vsel vm11, $0x1180, v1;
	v2 =	vsel vm11, $0x2180, v2  }
0x12: {  	v3 =	vsel vm11, $0x3180, v3;
	v4 =	vsel vm11, $0x4180, v4;
	v5 =	vsel vm11, $0x5180, v5  }
0x13: {  	v6 =	vsel vm11, $0x6180, v6;
	v7 =	vsel vm11, $0x7180, v7;
	v0 =	vsel vm10, $0x200, v0  }
0x14: {  	v1 =	vsel vm10, $0x1200, v1;
	v2 =	vsel vm10, $0x2200, v2;
	v3 =	vsel vm10, $0x3200, v3  }
0x15: {  	v4 =	vsel vm10, $0x4200, v4;
	v5 =	vsel vm10, $0x5200, v5;
	v6 =	vsel vm10, $0x6200, v6  }
0x16: {  	v7 =	vsel vm10, $0x7200, v7;
	v0 =	vsel vm9, $0x280, v0;
	v1 =	vsel vm9, $0x1280, v1  }
0x17: {  	v2 =	vsel vm9, $0x2280, v2;
	v3 =	vsel vm9, $0x3280, v3;
	v4 =	vsel vm9, $0x4280, v4  }
0x18: {  	v5 =	vsel vm9, $0x5280, v5;
	v6 =	vsel vm9, $0x6280, v6;
	v7 =	vsel vm9, $0x7280, v7  }
0x19: {  	v0 =	vsel vm8, $0x300, v0;
	v1 =	vsel vm8, $0x1300, v1;
	v2 =	vsel vm8, $0x2300, v2  }
0x1a: {  	v3 =	vsel vm8, $0x3300, v3;
	v4 =	vsel vm8, $0x4300, v4;
	v5 =	vsel vm8, $0x5300, v5  }
0x1b: {  	v6 =	vsel vm8, $0x6300, v6;
	v7 =	vsel vm8, $0x7300, v7;
	v0 =	vsel vm7, $0x380, v0  }
0x1c: {  	v1 =	vsel vm7, $0x1380, v1;
	v2 =	vsel vm7, $0x2380, v2;
	v3 =	vsel vm7, $0x3380, v3  }
0x1d: {  	v4 =	vsel vm7, $0x4380, v4;
	v5 =	vsel vm7, $0x5380, v5;
	v6 =	vsel vm7, $0x6380, v6  }
0x1e: {  	v7 =	vsel vm7, $0x7380, v7;
	v0 =	vsel vm6, $0x800, v0;
	v1 =	vsel vm6, $0x1800, v1  }
0x1f: {  	v2 =	vsel vm6, $0x2800, v2;
	v3 =	vsel vm6, $0x3800, v3;
	v4 =	vsel vm6, $0x4800, v4  }
0x20: {  	v5 =	vsel vm6, $0x5800, v5;
	v6 =	vsel vm6, $0x6800, v6;
	v7 =	vsel vm6, $0x7800, v7  }
0x21: {  	v0 =	vsel vm5, $0x880, v0;
	v1 =	vsel vm5, $0x1880, v1;
	v2 =	vsel vm5, $0x2880, v2  }
0x22: {  	v3 =	vsel vm5, $0x3880, v3;
	v4 =	vsel vm5, $0x4880, v4;
	v5 =	vsel vm5, $0x5880, v5  }
0x23: {  	s4 =	rddreg [dreg:$0x0];
	v6 =	vsel vm5, $0x6880, v6;
	v7 =	vsel vm5, $0x7880, v7;
	v0 =	vsel vm4, $0x900, v0  }
0x24: {  	s3 =	rddreg [dreg:$0x1];
	v1 =	vsel vm4, $0x1900, v1;
	v2 =	vsel vm4, $0x2900, v2;
	v3 =	vsel vm4, $0x3900, v3  }
0x25: {  	s7 =	rddreg [dreg:$0x2];
	v4 =	vsel vm4, $0x4900, v4;
	v5 =	vsel vm4, $0x5900, v5;
	v6 =	vsel vm4, $0x6900, v6  }
0x26: {  	s0 =	rddreg [dreg:$0x3];
	v7 =	vsel vm4, $0x7900, v7;
	v0 =	vsel vm3, $0x980, v0;
	v1 =	vsel vm3, $0x1980, v1  }
0x27: {  	s1 =	simm.s32 $0x0;
	s5 =	srdreg.scid;
	s2 =	stileid.u32;
	v2 =	vsel vm3, $0x2980, v2;
	v3 =	vsel vm3, $0x3980, v3;
	v4 =	vsel vm3, $0x4980, v4  }
0x28: {  	s11 =	simm.s32 $0x2080;
	s12 =	simm.s32 $0xA080;
	s13 =	simm.s32 $0x1;
	v5 =	vsel vm3, $0x5980, v5;
	v6 =	vsel vm3, $0x6980, v6;
	v7 =	vsel vm3, $0x7980, v7  }
0x29: {  	s14 =	simm.s32 $0x2;
	s15 =	simm.s32 $0x0;
	[smem:$0x7FF] =	sst s1;
	v0 =	vsel vm2, $0xA00, v0;
	v1 =	vsel vm2, $0x1A00, v1;
	v2 =	vsel vm2, $0x2A00, v2  }
0x2a: {  	s8 =	sand.u32 $0x1, s5;
	s6 =	sshll.u32 s2, $0xE;
	s3 =	sadd.s32 $0x400, s3;
	v3 =	vsel vm2, $0x3A00, v3;
	v4 =	vsel vm2, $0x4A00, v4;
	v5 =	vsel vm2, $0x5A00, v5  }
0x2b: {  	s31 =	sshll.u32 s2, $0x13;
	_ =	strace $0x80000047;
	s5 =	ssub.s32 $0x2, s8;
	v6 =	vsel vm2, $0x6A00, v6;
	v7 =	vsel vm2, $0x7A00, v7;
	v0 =	vsel vm1, $0xA80, v0  }
0x2c: {  	s9 =	sshll.u32 s8, $0xD;
	s8 =	sshll.u32 s8, $0x12;
	s10 =	sshrl.u32 s5, $0x1;
	v1 =	vsel vm1, $0x1A80, v1;
	v2 =	vsel vm1, $0x2A80, v2;
	v3 =	vsel vm1, $0x3A80, v3  }
0x2d: {  	s6 =	sor.u32 s9, s6;
	s9 =	simm.s32 $0x3;
	s29 =	ssub.s32 s5, s10;
	v4 =	vsel vm1, $0x4A80, v4;
	v5 =	vsel vm1, $0x5A80, v5;
	v6 =	vsel vm1, $0x6A80, v6  }
0x2e: {  	s30 =	sshrl.u32 s6, $0x3;
	s6 =	sshll.u32 s6, $0x5;
	s10 =	sadd.s32 s31, s7;
	v7 =	vsel vm1, $0x7A80, v7;
	v0 =	vsel vm0, $0xB00, v0;
	v1 =	vsel vm0, $0x1B00, v1  }
0x2f: {  	s4 =	sadd.s32 s4, s30;
	s5 =	sadd.s32 s7, s6;
	s7 =	smax.u32 s29, $0x1;
	v2 =	vsel vm0, $0x2B00, v2;
	v3 =	vsel vm0, $0x3B00, v3;
	v4 =	vsel vm0, $0x4B00, v4  }
0x30: {  	s8 =	sadd.s32 s8, s10;
	s10 =	simm.s32 $0x2000;
	s6 =	sadd.s32 $0x1000, s5;
	v5 =	vsel vm0, $0x5B00, v5;
	v6 =	vsel vm0, $0x6B00, v6;
	v7 =	vsel vm0, $0x7B00, v7  }
.LBB2_1:
0x31: {  	[tilespmem:s1], [sflag:$0x3] =	stream.linear.gather [hbm4b:s4+s1], $0x2000, $0x38;
	[tilespmem:$0x12080] =	vst v63  }
0x32: {  	_ =	swait.ge [sflag:s9], $0x2000  }
0x33: {  	[sflag:s9] =	ssyncset.done $0x0  }
0x34: {  	[sflag:s9] =	ssyncadd.s32 $0xFFFFE000  }
0x35: {  	[tilespmem:s10], [sflag:$0x3] =	stream.linear.gather [hbm4b:s3+s1], $0x80, $0x38;
	[tilespmem:$0x12080] =	vst v63  }
0x36: {  	_ =	swait.ge [sflag:s9], $0x80  }
0x37: {  	[sflag:s9] =	ssyncset.done $0x0  }
0x38: {  	[sflag:s9] =	ssyncadd.s32 $0xFFFFFF80  }
0x39: {  	v8 =	vld [tilespmem:$0x2000];
	_ =	sdelay $0x4  }
0x3a: {  	s16 =	sand.u32 $0x7800, s1;
	s17 =	sand.u32 $0x380, s1;
	v9 =	vmul.f32 $0.0e+00, v8  }
0x3b: {  	s16 =	sor.u32 s17, s16  }
0x3c: {  	[tilespmem:s16+$0xA4F0] =	vst v9  }
0x3d: {  	[tilespmem:s16+$0x2080] =	vst v9  }
0x3e: {  	[tilespmem:s16+$0xA080] =	vst v9  }
0x3f: {  	[tilespmem:s16+$0x2090] =	vst v9  }
0x40: {  	[tilespmem:s16+$0xA090] =	vst v9  }
0x41: {  	[tilespmem:s16+$0x20A0] =	vst v9  }
0x42: {  	[tilespmem:s16+$0xA0A0] =	vst v9  }
0x43: {  	[tilespmem:s16+$0x20B0] =	vst v9  }
0x44: {  	[tilespmem:s16+$0xA0B0] =	vst v9  }
0x45: {  	[tilespmem:s16+$0x20C0] =	vst v9  }
0x46: {  	[tilespmem:s16+$0xA0C0] =	vst v9  }
0x47: {  	[tilespmem:s16+$0x20D0] =	vst v9  }
0x48: {  	[tilespmem:s16+$0xA0D0] =	vst v9  }
0x49: {  	[tilespmem:s16+$0x20E0] =	vst v9  }
0x4a: {  	[tilespmem:s16+$0xA0E0] =	vst v9  }
0x4b: {  	[tilespmem:s16+$0x20F0] =	vst v9  }
0x4c: {  	[tilespmem:s16+$0xA0F0] =	vst v9  }
0x4d: {  	[tilespmem:s16+$0x2480] =	vst v9  }
0x4e: {  	[tilespmem:s16+$0xA480] =	vst v9  }
0x4f: {  	[tilespmem:s16+$0x2490] =	vst v9  }
0x50: {  	[tilespmem:s16+$0xA490] =	vst v9  }
0x51: {  	[tilespmem:s16+$0x24A0] =	vst v9  }
0x52: {  	[tilespmem:s16+$0xA4A0] =	vst v9  }
0x53: {  	[tilespmem:s16+$0x24B0] =	vst v9  }
0x54: {  	[tilespmem:s16+$0xA4B0] =	vst v9  }
0x55: {  	[tilespmem:s16+$0x24C0] =	vst v9  }
0x56: {  	[tilespmem:s16+$0xA4C0] =	vst v9  }
0x57: {  	[tilespmem:s16+$0x24D0] =	vst v9  }
0x58: {  	[tilespmem:s16+$0xA4D0] =	vst v9  }
0x59: {  	s18 =	simm.s32 $0x100;
	s17 =	simm.s32 $0x80;
	[tilespmem:s16+$0x24E0] =	vst v9  }
0x5a: {  	s19 =	sand.u32 $0x7800, s18;
	s18 =	simm.s32 $0x200;
	s20 =	sand.u32 $0x380, s17;
	[tilespmem:s16+$0xA4E0] =	vst v9  }
.LBB2_2:
0x5b: {  	p0 =	sne.s32 s18, $0x7F00;
	[tilespmem:s16+$0x24F0] =	vst v9;
	s16 =	sor.u32 s20, s19  }
0x5c: {  	[tilespmem:s16+$0xA4F0] =	vst v9  }
0x5d: {  	[tilespmem:s16+$0x2080] =	vst v9  }
0x5e: {  	[tilespmem:s16+$0xA080] =	vst v9  }
0x5f: {  	[tilespmem:s16+$0x2090] =	vst v9  }
0x60: {  	[tilespmem:s16+$0xA090] =	vst v9  }
0x61: {  	[tilespmem:s16+$0x20A0] =	vst v9  }
0x62: {  	[tilespmem:s16+$0xA0A0] =	vst v9  }
0x63: {  	[tilespmem:s16+$0x20B0] =	vst v9  }
0x64: {  	[tilespmem:s16+$0xA0B0] =	vst v9  }
0x65: {  	[tilespmem:s16+$0x20C0] =	vst v9  }
0x66: {  	[tilespmem:s16+$0xA0C0] =	vst v9  }
0x67: {  	[tilespmem:s16+$0x20D0] =	vst v9  }
0x68: {  	[tilespmem:s16+$0xA0D0] =	vst v9  }
0x69: {  	[tilespmem:s16+$0x20E0] =	vst v9  }
0x6a: {  	[tilespmem:s16+$0xA0E0] =	vst v9  }
0x6b: {  	[tilespmem:s16+$0x20F0] =	vst v9  }
0x6c: {  	[tilespmem:s16+$0xA0F0] =	vst v9  }
0x6d: {  	[tilespmem:s16+$0x2480] =	vst v9  }
0x6e: {  	[tilespmem:s16+$0xA480] =	vst v9  }
0x6f: {  	[tilespmem:s16+$0x2490] =	vst v9  }
0x70: {  	[tilespmem:s16+$0xA490] =	vst v9  }
0x71: {  	[tilespmem:s16+$0x24A0] =	vst v9  }
0x72: {  	[tilespmem:s16+$0xA4A0] =	vst v9  }
0x73: {  	[tilespmem:s16+$0x24B0] =	vst v9  }
0x74: {  	[tilespmem:s16+$0xA4B0] =	vst v9  }
0x75: {  	[tilespmem:s16+$0x24C0] =	vst v9  }
.Ltmp0:
0x76: {  	[tilespmem:s16+$0xA4C0] =	vst v9;
	(pc) =	sbr.rel @p0 .LBB2_2-.Ltmp0, $4  }
0x77: {  	[tilespmem:s16+$0x24D0] =	vst v9  }
0x78: {  	[tilespmem:s16+$0xA4D0] =	vst v9  }
0x79: {  	s17 =	sadd.s32 $0x80, s17;
	[tilespmem:s16+$0x24E0] =	vst v9  }
0x7a: {  	s19 =	sand.u32 $0x7800, s18;
	s18 =	sadd.s32 $0x100, s18;
	s20 =	sand.u32 $0x380, s17;
	[tilespmem:s16+$0xA4E0] =	vst v9  }
0x7b: {  	s17 =	sor.u32 s20, s19;
	[tilespmem:s16+$0x24F0] =	vst v9  }
0x7c: {  	[tilespmem:s17+$0xA4F0] =	vst v9  }
0x7d: {  	[tilespmem:s17+$0x2080] =	vst v9  }
0x7e: {  	[tilespmem:s17+$0xA080] =	vst v9  }
0x7f: {  	[tilespmem:s17+$0x2090] =	vst v9  }
0x80: {  	[tilespmem:s17+$0xA090] =	vst v9  }
0x81: {  	[tilespmem:s17+$0x20A0] =	vst v9  }
0x82: {  	[tilespmem:s17+$0xA0A0] =	vst v9  }
0x83: {  	[tilespmem:s17+$0x20B0] =	vst v9  }
0x84: {  	[tilespmem:s17+$0xA0B0] =	vst v9  }
0x85: {  	[tilespmem:s17+$0x20C0] =	vst v9  }
0x86: {  	[tilespmem:s17+$0xA0C0] =	vst v9  }
0x87: {  	[tilespmem:s17+$0x20D0] =	vst v9  }
0x88: {  	[tilespmem:s17+$0xA0D0] =	vst v9  }
0x89: {  	[tilespmem:s17+$0x20E0] =	vst v9  }
0x8a: {  	[tilespmem:s17+$0xA0E0] =	vst v9  }
0x8b: {  	[tilespmem:s17+$0x20F0] =	vst v9  }
0x8c: {  	[tilespmem:s17+$0xA0F0] =	vst v9  }
0x8d: {  	[tilespmem:s17+$0x2480] =	vst v9  }
0x8e: {  	[tilespmem:s17+$0xA480] =	vst v9  }
0x8f: {  	[tilespmem:s17+$0x2490] =	vst v9  }
0x90: {  	[tilespmem:s17+$0xA490] =	vst v9  }
0x91: {  	[tilespmem:s17+$0x24A0] =	vst v9  }
0x92: {  	[tilespmem:s17+$0xA4A0] =	vst v9  }
0x93: {  	[tilespmem:s17+$0x24B0] =	vst v9  }
0x94: {  	[tilespmem:s17+$0xA4B0] =	vst v9  }
0x95: {  	[tilespmem:s17+$0x24C0] =	vst v9  }
0x96: {  	[tilespmem:s17+$0xA4C0] =	vst v9  }
0x97: {  	[tilespmem:s17+$0x24D0] =	vst v9  }
0x98: {  	[tilespmem:s17+$0xA4D0] =	vst v9  }
0x99: {  	[tilespmem:s17+$0x24E0] =	vst v9  }
0x9a: {  	[tilespmem:s17+$0xA4E0] =	vst v9  }
0x9b: {  	[tilespmem:s17+$0x24F0] =	vst v9  }
0x9c: {  	v10 =	vld [tilespmem:$0x0];
	_ =	sdelay $0x4  }
0x9d: {  	v11 =	vshll.u32 v10, $0x3  }
0x9e: {  	v10 =	vand.u32 $0x7F, v10;
	v11 =	vand.u32 $0xFFFFFC00, v11  }
0x9f: {  	v10 =	vor.u32 v10, v11  }
0xa0: {  	v10 =	vadd.s32 v0, v10;
	_ =	sdelay $0x4  }
0xa1: {  	[tilespmem:v10+s11+$0x0] =	vst.idx.msk $0xffff, v8  }
0xa2: {  	v10 =	vld [tilespmem:$0x10];
	_ =	sdelay $0x4  }
0xa3: {  	v11 =	vshll.u32 v10, $0x3  }
0xa4: {  	v10 =	vand.u32 $0x7F, v10;
	v11 =	vand.u32 $0xFFFFFC00, v11  }
0xa5: {  	v10 =	vor.u32 v10, v11  }
0xa6: {  	v10 =	vadd.s32 v1, v10;
	_ =	sdelay $0x4  }
0xa7: {  	[tilespmem:v10+s11+$0x0] =	vst.idx.msk $0xffff, v8  }
0xa8: {  	v10 =	vld [tilespmem:$0x20];
	_ =	sdelay $0x4  }
0xa9: {  	v11 =	vshll.u32 v10, $0x3  }
0xaa: {  	v10 =	vand.u32 $0x7F, v10;
	v11 =	vand.u32 $0xFFFFFC00, v11  }
0xab: {  	v10 =	vor.u32 v10, v11  }
0xac: {  	v10 =	vadd.s32 v2, v10;
	_ =	sdelay $0x4  }
0xad: {  	[tilespmem:v10+s11+$0x0] =	vst.idx.msk $0xffff, v8  }
0xae: {  	v10 =	vld [tilespmem:$0x30];
	_ =	sdelay $0x4  }
0xaf: {  	v11 =	vshll.u32 v10, $0x3  }
0xb0: {  	v10 =	vand.u32 $0x7F, v10;
	v11 =	vand.u32 $0xFFFFFC00, v11  }
0xb1: {  	v10 =	vor.u32 v10, v11  }
0xb2: {  	v10 =	vadd.s32 v3, v10;
	_ =	sdelay $0x4  }
0xb3: {  	[tilespmem:v10+s11+$0x0] =	vst.idx.msk $0xffff, v8  }
0xb4: {  	v10 =	vld [tilespmem:$0x40];
	_ =	sdelay $0x4  }
0xb5: {  	v11 =	vshll.u32 v10, $0x3  }
0xb6: {  	v10 =	vand.u32 $0x7F, v10;
	v11 =	vand.u32 $0xFFFFFC00, v11  }
0xb7: {  	v10 =	vor.u32 v10, v11  }
0xb8: {  	v10 =	vadd.s32 v4, v10;
	_ =	sdelay $0x4  }
0xb9: {  	[tilespmem:v10+s11+$0x0] =	vst.idx.msk $0xffff, v8  }
0xba: {  	v10 =	vld [tilespmem:$0x50];
	_ =	sdelay $0x4  }
0xbb: {  	v11 =	vshll.u32 v10, $0x3  }
0xbc: {  	v10 =	vand.u32 $0x7F, v10;
	v11 =	vand.u32 $0xFFFFFC00, v11  }
0xbd: {  	v10 =	vor.u32 v10, v11  }
0xbe: {  	v10 =	vadd.s32 v5, v10;
	_ =	sdelay $0x4  }
0xbf: {  	[tilespmem:v10+s11+$0x0] =	vst.idx.msk $0xffff, v8  }
0xc0: {  	v10 =	vld [tilespmem:$0x60];
	_ =	sdelay $0x4  }
0xc1: {  	v11 =	vshll.u32 v10, $0x3  }
0xc2: {  	v10 =	vand.u32 $0x7F, v10;
	v11 =	vand.u32 $0xFFFFFC00, v11  }
0xc3: {  	v10 =	vor.u32 v10, v11  }
0xc4: {  	v10 =	vadd.s32 v6, v10;
	_ =	sdelay $0x4  }
0xc5: {  	[tilespmem:v10+s11+$0x0] =	vst.idx.msk $0xffff, v8  }
0xc6: {  	v10 =	vld [tilespmem:$0x70];
	_ =	sdelay $0x4  }
0xc7: {  	v11 =	vshll.u32 v10, $0x3  }
0xc8: {  	v10 =	vand.u32 $0x7F, v10;
	v11 =	vand.u32 $0xFFFFFC00, v11  }
0xc9: {  	v10 =	vor.u32 v10, v11  }
0xca: {  	v10 =	vadd.s32 v7, v10;
	_ =	sdelay $0x4  }
0xcb: {  	[tilespmem:v10+s11+$0x0] =	vst.idx.msk $0xffff, v8  }
0xcc: {  	[hbm4b:s5+s1] =	stream.linear.scatter [tilespmem:s11], [sflag:$0x1], $0x8000, $0x38;
	[tilespmem:$0x12080] =	vst v63  }
0xcd: {  	v10 =	vld [tilespmem:$0x80];
	_ =	sdelay $0x4  }
0xce: {  	v11 =	vshll.u32 v10, $0x3  }
0xcf: {  	v10 =	vand.u32 $0x7F, v10;
	v11 =	vand.u32 $0xFFFFFC00, v11  }
0xd0: {  	v10 =	vor.u32 v10, v11  }
0xd1: {  	v10 =	vadd.s32 v0, v10;
	_ =	sdelay $0x4  }
0xd2: {  	[tilespmem:v10+s12+$0x0] =	vst.idx.msk $0xffff, v8  }
0xd3: {  	v10 =	vld [tilespmem:$0x90];
	_ =	sdelay $0x4  }
0xd4: {  	v11 =	vshll.u32 v10, $0x3  }
0xd5: {  	v10 =	vand.u32 $0x7F, v10;
	v11 =	vand.u32 $0xFFFFFC00, v11  }
0xd6: {  	v10 =	vor.u32 v10, v11  }
0xd7: {  	v10 =	vadd.s32 v1, v10;
	_ =	sdelay $0x4  }
0xd8: {  	[tilespmem:v10+s12+$0x0] =	vst.idx.msk $0xffff, v8  }
0xd9: {  	v10 =	vld [tilespmem:$0xA0];
	_ =	sdelay $0x4  }
0xda: {  	v11 =	vshll.u32 v10, $0x3  }
0xdb: {  	v10 =	vand.u32 $0x7F, v10;
	v11 =	vand.u32 $0xFFFFFC00, v11  }
0xdc: {  	v10 =	vor.u32 v10, v11  }
0xdd: {  	v10 =	vadd.s32 v2, v10;
	_ =	sdelay $0x4  }
0xde: {  	[tilespmem:v10+s12+$0x0] =	vst.idx.msk $0xffff, v8  }
0xdf: {  	v10 =	vld [tilespmem:$0xB0];
	_ =	sdelay $0x4  }
0xe0: {  	v11 =	vshll.u32 v10, $0x3  }
0xe1: {  	v10 =	vand.u32 $0x7F, v10;
	v11 =	vand.u32 $0xFFFFFC00, v11  }
0xe2: {  	v10 =	vor.u32 v10, v11  }
0xe3: {  	v10 =	vadd.s32 v3, v10;
	_ =	sdelay $0x4  }
0xe4: {  	[tilespmem:v10+s12+$0x0] =	vst.idx.msk $0xffff, v8  }
0xe5: {  	v10 =	vld [tilespmem:$0xC0];
	_ =	sdelay $0x4  }
0xe6: {  	v11 =	vshll.u32 v10, $0x3  }
0xe7: {  	v10 =	vand.u32 $0x7F, v10;
	v11 =	vand.u32 $0xFFFFFC00, v11  }
0xe8: {  	v10 =	vor.u32 v10, v11  }
0xe9: {  	v10 =	vadd.s32 v4, v10;
	_ =	sdelay $0x4  }
0xea: {  	[tilespmem:v10+s12+$0x0] =	vst.idx.msk $0xffff, v8  }
0xeb: {  	v10 =	vld [tilespmem:$0xD0];
	_ =	sdelay $0x4  }
0xec: {  	v11 =	vshll.u32 v10, $0x3  }
0xed: {  	v10 =	vand.u32 $0x7F, v10;
	v11 =	vand.u32 $0xFFFFFC00, v11  }
0xee: {  	v10 =	vor.u32 v10, v11  }
0xef: {  	v10 =	vadd.s32 v5, v10;
	_ =	sdelay $0x4  }
0xf0: {  	[tilespmem:v10+s12+$0x0] =	vst.idx.msk $0xffff, v8  }
0xf1: {  	v10 =	vld [tilespmem:$0xE0];
	_ =	sdelay $0x4  }
0xf2: {  	v11 =	vshll.u32 v10, $0x3  }
0xf3: {  	v10 =	vand.u32 $0x7F, v10;
	v11 =	vand.u32 $0xFFFFFC00, v11  }
0xf4: {  	v10 =	vor.u32 v10, v11  }
0xf5: {  	v10 =	vadd.s32 v6, v10;
	_ =	sdelay $0x4  }
0xf6: {  	[tilespmem:v10+s12+$0x0] =	vst.idx.msk $0xffff, v8  }
0xf7: {  	v10 =	vld [tilespmem:$0xF0];
	_ =	sdelay $0x4  }
0xf8: {  	v11 =	vshll.u32 v10, $0x3  }
0xf9: {  	v10 =	vand.u32 $0x7F, v10;
	v11 =	vand.u32 $0xFFFFFC00, v11  }
0xfa: {  	v10 =	vor.u32 v10, v11  }
0xfb: {  	v10 =	vadd.s32 v7, v10;
	_ =	sdelay $0x4  }
0xfc: {  	s16 =	simm.s32 $0xFFFC2000;
	s17 =	simm.s32 $0x100;
	[tilespmem:v10+s12+$0x0] =	vst.idx.msk $0xffff, v8  }
0xfd: {  	[hbm4b:s6+s1] =	stream.linear.scatter [tilespmem:s12], [sflag:$0x2], $0x8000, $0x38;
	[tilespmem:$0x12080] =	vst v63  }
.LBB2_4:
0xfe: {  	_ =	swait.ge [sflag:s13], $0x8000  }
0xff: {  	[sflag:s13] =	ssyncset.done $0x0  }
0x100: {  	[sflag:s13] =	ssyncadd.s32 $0xFFFF8000  }
0x101: {  	v10 =	vld [tilespmem:s17+$0xFFFFFF00];
	_ =	sdelay $0x4  }
0x102: {  	v11 =	vshll.u32 v10, $0x3  }
0x103: {  	v10 =	vand.u32 $0x7F, v10;
	v11 =	vand.u32 $0xFFFFFC00, v11  }
0x104: {  	v10 =	vor.u32 v10, v11  }
0x105: {  	v10 =	vadd.s32 v0, v10;
	_ =	sdelay $0x4  }
0x106: {  	[tilespmem:v10+s11+$0x0] =	vst.idx.msk $0xffff, v9  }
0x107: {  	v10 =	vld [tilespmem:s17+$0xFFFFFF10];
	_ =	sdelay $0x4  }
0x108: {  	v11 =	vshll.u32 v10, $0x3  }
0x109: {  	v10 =	vand.u32 $0x7F, v10;
	v11 =	vand.u32 $0xFFFFFC00, v11  }
0x10a: {  	v10 =	vor.u32 v10, v11  }
0x10b: {  	v10 =	vadd.s32 v1, v10;
	_ =	sdelay $0x4  }
0x10c: {  	[tilespmem:v10+s11+$0x0] =	vst.idx.msk $0xffff, v9  }
0x10d: {  	v10 =	vld [tilespmem:s17+$0xFFFFFF20];
	_ =	sdelay $0x4  }
0x10e: {  	v11 =	vshll.u32 v10, $0x3  }
0x10f: {  	v10 =	vand.u32 $0x7F, v10;
	v11 =	vand.u32 $0xFFFFFC00, v11  }
0x110: {  	v10 =	vor.u32 v10, v11  }
0x111: {  	v10 =	vadd.s32 v2, v10;
	_ =	sdelay $0x4  }
0x112: {  	[tilespmem:v10+s11+$0x0] =	vst.idx.msk $0xffff, v9  }
0x113: {  	v10 =	vld [tilespmem:s17+$0xFFFFFF30];
	_ =	sdelay $0x4  }
0x114: {  	v11 =	vshll.u32 v10, $0x3  }
0x115: {  	v10 =	vand.u32 $0x7F, v10;
	v11 =	vand.u32 $0xFFFFFC00, v11  }
0x116: {  	v10 =	vor.u32 v10, v11  }
0x117: {  	v10 =	vadd.s32 v3, v10;
	_ =	sdelay $0x4  }
0x118: {  	[tilespmem:v10+s11+$0x0] =	vst.idx.msk $0xffff, v9  }
0x119: {  	v10 =	vld [tilespmem:s17+$0xFFFFFF40];
	_ =	sdelay $0x4  }
0x11a: {  	v11 =	vshll.u32 v10, $0x3  }
0x11b: {  	v10 =	vand.u32 $0x7F, v10;
	v11 =	vand.u32 $0xFFFFFC00, v11  }
0x11c: {  	v10 =	vor.u32 v10, v11  }
0x11d: {  	v10 =	vadd.s32 v4, v10;
	_ =	sdelay $0x4  }
0x11e: {  	[tilespmem:v10+s11+$0x0] =	vst.idx.msk $0xffff, v9  }
0x11f: {  	v10 =	vld [tilespmem:s17+$0xFFFFFF50];
	_ =	sdelay $0x4  }
0x120: {  	v11 =	vshll.u32 v10, $0x3  }
0x121: {  	v10 =	vand.u32 $0x7F, v10;
	v11 =	vand.u32 $0xFFFFFC00, v11  }
0x122: {  	v10 =	vor.u32 v10, v11  }
0x123: {  	v10 =	vadd.s32 v5, v10;
	_ =	sdelay $0x4  }
0x124: {  	[tilespmem:v10+s11+$0x0] =	vst.idx.msk $0xffff, v9  }
0x125: {  	v10 =	vld [tilespmem:s17+$0xFFFFFF60];
	_ =	sdelay $0x4  }
0x126: {  	v11 =	vshll.u32 v10, $0x3  }
0x127: {  	v10 =	vand.u32 $0x7F, v10;
	v11 =	vand.u32 $0xFFFFFC00, v11  }
0x128: {  	v10 =	vor.u32 v10, v11  }
0x129: {  	v10 =	vadd.s32 v6, v10;
	_ =	sdelay $0x4  }
0x12a: {  	[tilespmem:v10+s11+$0x0] =	vst.idx.msk $0xffff, v9  }
0x12b: {  	v10 =	vld [tilespmem:s17+$0xFFFFFF70];
	_ =	sdelay $0x4  }
0x12c: {  	v11 =	vshll.u32 v10, $0x3  }
0x12d: {  	v10 =	vand.u32 $0x7F, v10;
	v11 =	vand.u32 $0xFFFFFC00, v11  }
0x12e: {  	v10 =	vor.u32 v10, v11  }
0x12f: {  	v10 =	vadd.s32 v7, v10;
	_ =	sdelay $0x4  }
0x130: {  	[tilespmem:v10+s11+$0x0] =	vst.idx.msk $0xffff, v9  }
0x131: {  	v10 =	vld [tilespmem:s17+$0x0];
	_ =	sdelay $0x4  }
0x132: {  	v11 =	vshll.u32 v10, $0x3  }
0x133: {  	v10 =	vand.u32 $0x7F, v10;
	v11 =	vand.u32 $0xFFFFFC00, v11  }
0x134: {  	v10 =	vor.u32 v10, v11  }
0x135: {  	v10 =	vadd.s32 v0, v10;
	_ =	sdelay $0x4  }
0x136: {  	[tilespmem:v10+s11+$0x0] =	vst.idx.msk $0xffff, v8  }
0x137: {  	v10 =	vld [tilespmem:s17+$0x10];
	_ =	sdelay $0x4  }
0x138: {  	v11 =	vshll.u32 v10, $0x3  }
0x139: {  	v10 =	vand.u32 $0x7F, v10;
	v11 =	vand.u32 $0xFFFFFC00, v11  }
0x13a: {  	v10 =	vor.u32 v10, v11  }
0x13b: {  	v10 =	vadd.s32 v1, v10;
	_ =	sdelay $0x4  }
0x13c: {  	[tilespmem:v10+s11+$0x0] =	vst.idx.msk $0xffff, v8  }
0x13d: {  	v10 =	vld [tilespmem:s17+$0x20];
	_ =	sdelay $0x4  }
0x13e: {  	v11 =	vshll.u32 v10, $0x3  }
0x13f: {  	v10 =	vand.u32 $0x7F, v10;
	v11 =	vand.u32 $0xFFFFFC00, v11  }
0x140: {  	v10 =	vor.u32 v10, v11  }
0x141: {  	v10 =	vadd.s32 v2, v10;
	_ =	sdelay $0x4  }
0x142: {  	[tilespmem:v10+s11+$0x0] =	vst.idx.msk $0xffff, v8  }
0x143: {  	v10 =	vld [tilespmem:s17+$0x30];
	_ =	sdelay $0x4  }
0x144: {  	v11 =	vshll.u32 v10, $0x3  }
0x145: {  	v10 =	vand.u32 $0x7F, v10;
	v11 =	vand.u32 $0xFFFFFC00, v11  }
0x146: {  	v10 =	vor.u32 v10, v11  }
0x147: {  	v10 =	vadd.s32 v3, v10;
	_ =	sdelay $0x4  }
0x148: {  	[tilespmem:v10+s11+$0x0] =	vst.idx.msk $0xffff, v8  }
0x149: {  	v10 =	vld [tilespmem:s17+$0x40];
	_ =	sdelay $0x4  }
0x14a: {  	v11 =	vshll.u32 v10, $0x3  }
0x14b: {  	v10 =	vand.u32 $0x7F, v10;
	v11 =	vand.u32 $0xFFFFFC00, v11  }
0x14c: {  	v10 =	vor.u32 v10, v11  }
0x14d: {  	v10 =	vadd.s32 v4, v10;
	_ =	sdelay $0x4  }
0x14e: {  	[tilespmem:v10+s11+$0x0] =	vst.idx.msk $0xffff, v8  }
0x14f: {  	v10 =	vld [tilespmem:s17+$0x50];
	_ =	sdelay $0x4  }
0x150: {  	v11 =	vshll.u32 v10, $0x3  }
0x151: {  	v10 =	vand.u32 $0x7F, v10;
	v11 =	vand.u32 $0xFFFFFC00, v11  }
0x152: {  	v10 =	vor.u32 v10, v11  }
0x153: {  	v10 =	vadd.s32 v5, v10;
	_ =	sdelay $0x4  }
0x154: {  	[tilespmem:v10+s11+$0x0] =	vst.idx.msk $0xffff, v8  }
0x155: {  	v10 =	vld [tilespmem:s17+$0x60];
	_ =	sdelay $0x4  }
0x156: {  	v11 =	vshll.u32 v10, $0x3  }
0x157: {  	v10 =	vand.u32 $0x7F, v10;
	v11 =	vand.u32 $0xFFFFFC00, v11  }
0x158: {  	v10 =	vor.u32 v10, v11  }
0x159: {  	v10 =	vadd.s32 v6, v10;
	_ =	sdelay $0x4  }
0x15a: {  	[tilespmem:v10+s11+$0x0] =	vst.idx.msk $0xffff, v8  }
0x15b: {  	v10 =	vld [tilespmem:s17+$0x70];
	_ =	sdelay $0x4  }
0x15c: {  	v11 =	vshll.u32 v10, $0x3  }
0x15d: {  	v10 =	vand.u32 $0x7F, v10;
	v11 =	vand.u32 $0xFFFFFC00, v11  }
0x15e: {  	v10 =	vor.u32 v10, v11  }
0x15f: {  	v10 =	vadd.s32 v7, v10;
	_ =	sdelay $0x3  }
0x160: {  	s18 =	sadd.s32 s16, s8  }
0x161: {  	s19 =	sadd.s32 $0x40000, s18;
	[tilespmem:v10+s11+$0x0] =	vst.idx.msk $0xffff, v8  }
0x162: {  	[hbm4b:s19+s1] =	stream.linear.scatter [tilespmem:s11], [sflag:$0x1], $0x8000, $0x38;
	[tilespmem:$0x12080] =	vst v63  }
0x163: {  	_ =	swait.ge [sflag:s14], $0x8000  }
0x164: {  	[sflag:s14] =	ssyncset.done $0x0  }
0x165: {  	[sflag:s14] =	ssyncadd.s32 $0xFFFF8000  }
0x166: {  	v10 =	vld [tilespmem:s17+$0xFFFFFF80];
	_ =	sdelay $0x4  }
0x167: {  	v11 =	vshll.u32 v10, $0x3  }
0x168: {  	v10 =	vand.u32 $0x7F, v10;
	v11 =	vand.u32 $0xFFFFFC00, v11  }
0x169: {  	v10 =	vor.u32 v10, v11  }
0x16a: {  	v10 =	vadd.s32 v0, v10;
	_ =	sdelay $0x4  }
0x16b: {  	[tilespmem:v10+s12+$0x0] =	vst.idx.msk $0xffff, v9  }
0x16c: {  	v10 =	vld [tilespmem:s17+$0xFFFFFF90];
	_ =	sdelay $0x4  }
0x16d: {  	v11 =	vshll.u32 v10, $0x3  }
0x16e: {  	v10 =	vand.u32 $0x7F, v10;
	v11 =	vand.u32 $0xFFFFFC00, v11  }
0x16f: {  	v10 =	vor.u32 v10, v11  }
0x170: {  	v10 =	vadd.s32 v1, v10;
	_ =	sdelay $0x4  }
0x171: {  	[tilespmem:v10+s12+$0x0] =	vst.idx.msk $0xffff, v9  }
0x172: {  	v10 =	vld [tilespmem:s17+$0xFFFFFFA0];
	_ =	sdelay $0x4  }
0x173: {  	v11 =	vshll.u32 v10, $0x3  }
0x174: {  	v10 =	vand.u32 $0x7F, v10;
	v11 =	vand.u32 $0xFFFFFC00, v11  }
0x175: {  	v10 =	vor.u32 v10, v11  }
0x176: {  	v10 =	vadd.s32 v2, v10;
	_ =	sdelay $0x4  }
0x177: {  	[tilespmem:v10+s12+$0x0] =	vst.idx.msk $0xffff, v9  }
0x178: {  	v10 =	vld [tilespmem:s17+$0xFFFFFFB0];
	_ =	sdelay $0x4  }
0x179: {  	v11 =	vshll.u32 v10, $0x3  }
0x17a: {  	v10 =	vand.u32 $0x7F, v10;
	v11 =	vand.u32 $0xFFFFFC00, v11  }
0x17b: {  	v10 =	vor.u32 v10, v11  }
0x17c: {  	v10 =	vadd.s32 v3, v10;
	_ =	sdelay $0x4  }
0x17d: {  	[tilespmem:v10+s12+$0x0] =	vst.idx.msk $0xffff, v9  }
0x17e: {  	v10 =	vld [tilespmem:s17+$0xFFFFFFC0];
	_ =	sdelay $0x4  }
0x17f: {  	v11 =	vshll.u32 v10, $0x3  }
0x180: {  	v10 =	vand.u32 $0x7F, v10;
	v11 =	vand.u32 $0xFFFFFC00, v11  }
0x181: {  	v10 =	vor.u32 v10, v11  }
0x182: {  	v10 =	vadd.s32 v4, v10;
	_ =	sdelay $0x4  }
0x183: {  	[tilespmem:v10+s12+$0x0] =	vst.idx.msk $0xffff, v9  }
0x184: {  	v10 =	vld [tilespmem:s17+$0xFFFFFFD0];
	_ =	sdelay $0x4  }
0x185: {  	v11 =	vshll.u32 v10, $0x3  }
0x186: {  	v10 =	vand.u32 $0x7F, v10;
	v11 =	vand.u32 $0xFFFFFC00, v11  }
0x187: {  	v10 =	vor.u32 v10, v11  }
0x188: {  	v10 =	vadd.s32 v5, v10;
	_ =	sdelay $0x4  }
0x189: {  	[tilespmem:v10+s12+$0x0] =	vst.idx.msk $0xffff, v9  }
0x18a: {  	v10 =	vld [tilespmem:s17+$0xFFFFFFE0];
	_ =	sdelay $0x4  }
0x18b: {  	v11 =	vshll.u32 v10, $0x3  }
0x18c: {  	v10 =	vand.u32 $0x7F, v10;
	v11 =	vand.u32 $0xFFFFFC00, v11  }
0x18d: {  	v10 =	vor.u32 v10, v11  }
0x18e: {  	v10 =	vadd.s32 v6, v10;
	_ =	sdelay $0x4  }
0x18f: {  	[tilespmem:v10+s12+$0x0] =	vst.idx.msk $0xffff, v9  }
0x190: {  	v10 =	vld [tilespmem:s17+$0xFFFFFFF0];
	_ =	sdelay $0x4  }
0x191: {  	v11 =	vshll.u32 v10, $0x3  }
0x192: {  	v10 =	vand.u32 $0x7F, v10;
	v11 =	vand.u32 $0xFFFFFC00, v11  }
0x193: {  	v10 =	vor.u32 v10, v11  }
0x194: {  	v10 =	vadd.s32 v7, v10;
	_ =	sdelay $0x4  }
0x195: {  	[tilespmem:v10+s12+$0x0] =	vst.idx.msk $0xffff, v9  }
0x196: {  	v10 =	vld [tilespmem:s17+$0x80];
	_ =	sdelay $0x4  }
0x197: {  	v11 =	vshll.u32 v10, $0x3  }
0x198: {  	v10 =	vand.u32 $0x7F, v10;
	v11 =	vand.u32 $0xFFFFFC00, v11  }
0x199: {  	v10 =	vor.u32 v10, v11  }
0x19a: {  	v10 =	vadd.s32 v0, v10;
	_ =	sdelay $0x4  }
0x19b: {  	[tilespmem:v10+s12+$0x0] =	vst.idx.msk $0xffff, v8  }
0x19c: {  	v10 =	vld [tilespmem:s17+$0x90];
	_ =	sdelay $0x4  }
0x19d: {  	v11 =	vshll.u32 v10, $0x3  }
0x19e: {  	v10 =	vand.u32 $0x7F, v10;
	v11 =	vand.u32 $0xFFFFFC00, v11  }
0x19f: {  	v10 =	vor.u32 v10, v11  }
0x1a0: {  	v10 =	vadd.s32 v1, v10;
	_ =	sdelay $0x4  }
0x1a1: {  	[tilespmem:v10+s12+$0x0] =	vst.idx.msk $0xffff, v8  }
0x1a2: {  	v10 =	vld [tilespmem:s17+$0xA0];
	_ =	sdelay $0x4  }
0x1a3: {  	v11 =	vshll.u32 v10, $0x3  }
0x1a4: {  	v10 =	vand.u32 $0x7F, v10;
	v11 =	vand.u32 $0xFFFFFC00, v11  }
0x1a5: {  	v10 =	vor.u32 v10, v11  }
0x1a6: {  	v10 =	vadd.s32 v2, v10;
	_ =	sdelay $0x4  }
0x1a7: {  	[tilespmem:v10+s12+$0x0] =	vst.idx.msk $0xffff, v8  }
0x1a8: {  	v10 =	vld [tilespmem:s17+$0xB0];
	_ =	sdelay $0x4  }
0x1a9: {  	v11 =	vshll.u32 v10, $0x3  }
0x1aa: {  	v10 =	vand.u32 $0x7F, v10;
	v11 =	vand.u32 $0xFFFFFC00, v11  }
0x1ab: {  	v10 =	vor.u32 v10, v11  }
0x1ac: {  	v10 =	vadd.s32 v3, v10;
	_ =	sdelay $0x4  }
0x1ad: {  	[tilespmem:v10+s12+$0x0] =	vst.idx.msk $0xffff, v8  }
0x1ae: {  	v10 =	vld [tilespmem:s17+$0xC0];
	_ =	sdelay $0x4  }
0x1af: {  	v11 =	vshll.u32 v10, $0x3  }
0x1b0: {  	v10 =	vand.u32 $0x7F, v10;
	v11 =	vand.u32 $0xFFFFFC00, v11  }
0x1b1: {  	v10 =	vor.u32 v10, v11  }
0x1b2: {  	v10 =	vadd.s32 v4, v10;
	_ =	sdelay $0x4  }
0x1b3: {  	[tilespmem:v10+s12+$0x0] =	vst.idx.msk $0xffff, v8  }
0x1b4: {  	v10 =	vld [tilespmem:s17+$0xD0];
	_ =	sdelay $0x4  }
0x1b5: {  	v11 =	vshll.u32 v10, $0x3  }
0x1b6: {  	v10 =	vand.u32 $0x7F, v10;
	v11 =	vand.u32 $0xFFFFFC00, v11  }
0x1b7: {  	v10 =	vor.u32 v10, v11  }
0x1b8: {  	v10 =	vadd.s32 v5, v10;
	_ =	sdelay $0x4  }
0x1b9: {  	[tilespmem:v10+s12+$0x0] =	vst.idx.msk $0xffff, v8  }
0x1ba: {  	v10 =	vld [tilespmem:s17+$0xE0];
	_ =	sdelay $0x4  }
0x1bb: {  	v11 =	vshll.u32 v10, $0x3  }
0x1bc: {  	v10 =	vand.u32 $0x7F, v10;
	v11 =	vand.u32 $0xFFFFFC00, v11  }
0x1bd: {  	v10 =	vor.u32 v10, v11  }
0x1be: {  	v10 =	vadd.s32 v6, v10;
	_ =	sdelay $0x4  }
0x1bf: {  	[tilespmem:v10+s12+$0x0] =	vst.idx.msk $0xffff, v8  }
0x1c0: {  	v10 =	vld [tilespmem:s17+$0xF0];
	_ =	sdelay $0x4  }
0x1c1: {  	v11 =	vshll.u32 v10, $0x3  }
0x1c2: {  	v10 =	vand.u32 $0x7F, v10;
	v11 =	vand.u32 $0xFFFFFC00, v11  }
0x1c3: {  	v10 =	vor.u32 v10, v11  }
0x1c4: {  	v10 =	vadd.s32 v7, v10  }
0x1c5: {  	p0 =	sne.s32 s16, $0xFFFFE000  }
.Ltmp1:
0x1c6: {  	_ = 	snop;
	(pc) =	sbr.rel @p0 .LBB2_4-.Ltmp1, $3  }
0x1c7: {  	_ =	sdelay $0x1  }
0x1c8: {  	s16 =	sadd.s32 $0x2000, s16;
	s18 =	sadd.s32 $0x41000, s18;
	s17 =	sadd.s32 $0x100, s17;
	[tilespmem:v10+s12+$0x0] =	vst.idx.msk $0xffff, v8  }
0x1c9: {  	[hbm4b:s18+s1] =	stream.linear.scatter [tilespmem:s12], [sflag:$0x2], $0x8000, $0x38;
	[tilespmem:$0x12080] =	vst v63  }
0x1ca: {  	s15 =	sadd.s32 $0x1, s15  }
0x1cb: {  	_ =	swait.ge [sflag:s13], $0x8000;
	p0 =	sne.s32 s15, s7  }
.Ltmp2:
0x1cc: {  	[sflag:s13] =	ssyncset.done $0x0;
	(pc) =	sbr.rel @p0 .LBB2_1-.Ltmp2, $4  }
0x1cd: {  	[sflag:s13] =	ssyncadd.s32 $0xFFFF8000  }
0x1ce: {  	_ =	swait.ge [sflag:s14], $0x8000  }
0x1cf: {  	[sflag:s14] =	ssyncset.done $0x0  }
0x1d0: {  	[sflag:s14] =	ssyncadd.s32 $0xFFFF8000  }
0x1d1: {  	_ =	sfence.sel $0x180000  }
0x1d2: {  	[bflag:$0x0] =	sbarrier.arrive $0xFFFF  }
0x1d3: {  	p0 =	sne.s32 s2, $0x0;
	_ =	strace $0x90000047  }
0x1d4: {  	s0 =	sadd.s32 @!p0 $0x100000, s0;
	[bflag:$0x2] =	sbarrier.arrive $0xFFFF  }
0x1d5: {  	[sflag:s0] =	ssyncadd.tile.s32 @!p0 $0x1;
	_ =	shalt  }
.Lfunc_end2:
_tile_overlayer_lowered:
.L_overlay_start_2:
0x1d6: {  	(tag) =	ssettag $0x2  }
0x1d7: {  	s0 =	rddreg [dreg:$0x0];
	s2 =	stileid.u32  }
0x1d8: {  	s1 =	rddreg [dreg:$0x1];
	p0 =	sne.s32 s2, $0x0  }
0x1d9: {  	s3 =	rddreg [dreg:$0x2];
	[bflag:$0x3] =	sbarrier.arrive $0xFFFF;
	s2 =	simm.s32 @!p0 $0x1C03  }
0x1da: {  	[timem:s3], [sflag:s2] =	dma.local @!p0 [hbm:s0], s1  }
0x1db: {  	s0 =	simm.s32 @!p0 $0x3  }
0x1dc: {  	_ =	swait.ge @!p0 [sflag:s0], s1  }
0x1dd: {  	s1 =	ssub.s32 @!p0 $0x0, s1;
	[sflag:s0] =	ssyncset.done @!p0 $0x0  }
0x1de: {  	[sflag:s0] =	ssyncadd.s32 @!p0 s1  }
0x1df: {  	[bflag:$0x3] =	sbarrier.arrive $0xFFFF  }
0x1e0: {  	_ =	shalt  }

</sc_bundles>
